<compile_context>
chip_gen: v7x
topology: tpu7x:2x2x1
jax: 0.10.2.dev20260603
libtpu: 0.0.44.dev20260713+nightly
codegen_flags: <defaults>
</compile_context>

<pallas_src>
import functools

import jax
import jax.numpy as jnp
from jax import lax
from jax.experimental import pallas as pl
from jax.experimental.pallas import tpu as pltpu
from jax.experimental.pallas import tpu_sc as plsc

R = 64
C = 16
B = 4
S = 1024
N = B * S
STD = 0.6 / 64
INV_STD2 = float(1.0 / (STD * STD))

_CNT_OFFS = (
    (-2, -2, 16.0),
    (-2, -1, 16.0),
    (-2, 0, 16.0),
    (-2, 1, 16.0),
    (-2, 2, 16.0),
    (-1, -2, 16.0),
    (-1, -1, 16.0),
    (-1, 0, 13.0),
)


def _prep_body(pos_ref, x_ref, pw_ref, pb_ref, vx_ref, vy_ref, vz_ref,
               ga_ref, gb_ref):
    x2 = x_ref[...]
    pos2 = pos_ref[...]
    z = jnp.dot(x2, pw_ref[...], preferred_element_type=jnp.float32)
    corr = 0.1 * jax.nn.sigmoid(z + pb_ref[...])
    p = (pos2 + corr) * float(R)
    fr = p - jnp.round(p)
    g = jnp.exp(-jnp.sum(fr * fr, axis=1) * INV_STD2)
    ci = lax.broadcasted_iota(jnp.int32, (N, C), 1)
    sa = jnp.sum(jnp.where(ci < 8, x2, 0.0), axis=1)
    sb = jnp.sum(jnp.where(ci >= 8, x2, 0.0), axis=1)
    vi = p.astype(jnp.int32)
    di = lax.broadcasted_iota(jnp.int32, (N, 3), 1)
    vx_ref[...] = jnp.sum(jnp.where(di == 0, vi, 0), axis=1)
    vy_ref[...] = jnp.sum(jnp.where(di == 1, vi, 0), axis=1)
    vz_ref[...] = jnp.sum(jnp.where(di == 2, vi, 0), axis=1)
    ga_ref[...] = g * sa
    gb_ref[...] = g * sb


def _prep(pos2, x2, pw, pb_row):
    return pl.pallas_call(
        _prep_body,
        out_shape=(
            jax.ShapeDtypeStruct((N,), jnp.int32),
            jax.ShapeDtypeStruct((N,), jnp.int32),
            jax.ShapeDtypeStruct((N,), jnp.int32),
            jax.ShapeDtypeStruct((N,), jnp.float32),
            jax.ShapeDtypeStruct((N,), jnp.float32),
        ),
    )(pos2, x2, pw, pb_row)


SLAB = 8 * R * R


def _scatter_body(vx_hbm, vy_hbm, vz_hbm, ga_hbm, gb_hbm,
                  cnt_hbm, s7_hbm, s8_hbm,
                  vxv, vyv, vzv, gav, gbv, cnt, s7, s8):
    wid = lax.axis_index("c") * 16 + lax.axis_index("s")
    b = wid >> 3
    x0 = (wid & 7) * 8
    base = b * S

    zeros = jnp.zeros((16,), jnp.float32)

    def _zero(i, _):
        sl = pl.ds(i * 16, 16)
        cnt[sl] = zeros
        s7[sl] = zeros
        s8[sl] = zeros
        return 0

    lax.fori_loop(0, SLAB // 16, _zero, 0)

    pltpu.sync_copy(vx_hbm.at[pl.ds(base, S)], vxv)
    pltpu.sync_copy(vy_hbm.at[pl.ds(base, S)], vyv)
    pltpu.sync_copy(vz_hbm.at[pl.ds(base, S)], vzv)
    pltpu.sync_copy(ga_hbm.at[pl.ds(base, S)], gav)
    pltpu.sync_copy(gb_hbm.at[pl.ds(base, S)], gbv)

    w16 = jnp.full((16,), 16.0, jnp.float32)
    w13 = jnp.full((16,), 13.0, jnp.float32)

    def _clip(v):
        return jnp.minimum(jnp.maximum(v, 0), R - 1)

    def _point_block(i, _):
        sl = pl.ds(i * 16, 16)
        vx = vxv[sl]
        vy = vyv[sl]
        vz = vzv[sl]
        ga = gav[sl]
        gb = gbv[sl]

        cxa = _clip(vx - 2) - x0
        cxb = _clip(vx - 1) - x0
        m_a = (cxa >= 0) & (cxa < 8)
        m_b = (cxb >= 0) & (cxb < 8)
        row_c = _clip(vy - 2) * R
        zs = [_clip(vz - 2), _clip(vz - 1), _clip(vz), _clip(vz + 1),
              _clip(vz + 2)]

        for dx, dz, w in _CNT_OFFS:
            relx = cxa if dx == -2 else cxb
            m = m_a if dx == -2 else m_b
            wv = w16 if w == 16.0 else w13
            lin = relx * (R * R) + row_c + zs[dz + 2]
            plsc.addupdate_scatter(cnt, [lin], wv, mask=m)

        cxc = _clip(vx) - x0
        m_v = (cxc >= 0) & (cxc < 8)
        linc = cxc * (R * R) + _clip(vy) * R + zs[2]
        plsc.addupdate_scatter(s7, [linc], ga, mask=m_v)
        plsc.addupdate_scatter(s8, [linc], gb, mask=m_v)
        return 0

    lax.fori_loop(0, S // 16, _point_block, 0)

    dst = pl.ds(x0 * R * R, SLAB)
    pltpu.sync_copy(cnt, cnt_hbm.at[b, dst])
    pltpu.sync_copy(s7, s7_hbm.at[b, dst])
    pltpu.sync_copy(s8, s8_hbm.at[b, dst])


def _scatter(vx, vy, vz, ga, gb):
    mesh = plsc.VectorSubcoreMesh(core_axis_name="c", subcore_axis_name="s")
    grid_t = jax.ShapeDtypeStruct((B, R * R * R), jnp.float32)
    fn = functools.partial(
        pl.kernel,
        mesh=mesh,
        out_type=(grid_t, grid_t, grid_t),
        compiler_params=pltpu.CompilerParams(needs_layout_passes=False),
        scratch_types=[
            pltpu.VMEM((S,), jnp.int32),
            pltpu.VMEM((S,), jnp.int32),
            pltpu.VMEM((S,), jnp.int32),
            pltpu.VMEM((S,), jnp.float32),
            pltpu.VMEM((S,), jnp.float32),
            pltpu.VMEM((SLAB,), jnp.float32),
            pltpu.VMEM((SLAB,), jnp.float32),
            pltpu.VMEM((SLAB,), jnp.float32),
        ],
    )(_scatter_body)
    return fn(vx, vy, vz, ga, gb)


def _expand_body(cnt_ref, s7_ref, s8_ref, w16_ref, w7_ref, w8_ref, cb_ref,
                 out_ref):
    n0 = cnt_ref[...].reshape(512, R)
    a7 = s7_ref[...].reshape(512, R)
    a8 = s8_ref[...].reshape(512, R)
    y = jnp.dot(n0, w16_ref[...], preferred_element_type=jnp.float32)
    y += jnp.dot(a7, w7_ref[...], preferred_element_type=jnp.float32)
    y += jnp.dot(a8, w8_ref[...], preferred_element_type=jnp.float32)
    y += cb_ref[...]
    out_ref[...] = y.reshape(1, 8, R, R * C)


def _expand(cnt, s7, s8, w16z, w7z, w8z, cbz):
    grid_spec = pl.BlockSpec((1, 8, R, R), lambda b, xc: (b, xc, 0, 0))
    w_spec = pl.BlockSpec((R, R * C), lambda b, xc: (0, 0))
    return pl.pallas_call(
        _expand_body,
        grid=(B, R // 8),
        in_specs=[grid_spec, grid_spec, grid_spec, w_spec, w_spec, w_spec,
                  pl.BlockSpec((1, R * C), lambda b, xc: (0, 0))],
        out_specs=pl.BlockSpec((1, 8, R, R * C), lambda b, xc: (b, xc, 0, 0)),
        out_shape=jax.ShapeDtypeStruct((B, R, R, R * C), jnp.float32),
    )(cnt, s7, s8, w16z, w7z, w8z, cbz)


def kernel(positions, x, poca_w, poca_b, conv_w, conv_b):
    pos2 = positions.reshape(N, 3)
    x2 = x.reshape(N, C)
    pb_row = poca_b.reshape(1, 3)

    vx, vy, vz, ga, gb = _prep(pos2, x2, poca_w, pb_row)
    cnt, s7, s8 = _scatter(vx, vy, vz, ga, gb)
    cnt = cnt.reshape(B, R, R, R)
    s7 = s7.reshape(B, R, R, R)
    s8 = s8.reshape(B, R, R, R)

    eye = jnp.eye(R, dtype=jnp.float32)[:, None, :]
    w16z = (eye * conv_w[16][None, :, None]).reshape(R, R * C)
    w7z = (eye * conv_w[7][None, :, None]).reshape(R, R * C)
    w8z = (eye * conv_w[8][None, :, None]).reshape(R, R * C)
    cbz = jnp.repeat(conv_b, R).reshape(1, R * C)

    out = _expand(cnt, s7, s8, w16z, w7z, w8z, cbz)
    return out.reshape(B, R, R, C, R).transpose(0, 1, 2, 4, 3)

# --- scband reference (transcript-rebuilt; emitter-appended) ---
"""Pipeline reference for scband-gaussian-scatter-and-avg3-d-59055800320120 (READ-ONLY COPY).

The authoritative reference and input builder live on the scoring server;
editing this copy changes nothing except your own understanding.
"""

import jax, jax.numpy as jnp
import numpy as np

R = 64
C = 16
P = 5
STD = 0.6 / 64
B = 4
S = 1024

# tf.meshgrid default indexing is 'xy'; replicate exactly
_offs = np.stack(np.meshgrid(np.arange(P), np.arange(P), np.arange(P), indexing='xy'), axis=-1).reshape(-1, 3) - (P // 2)
# channel indices: each channel repeated P^3 times (faithful to original layer)
_chan = np.repeat(np.arange(C), P ** 3)


def setup_inputs(seed: int = 0) -> dict:
    key = jax.random.key(seed)
    k1, k2, k3, k4 = jax.random.split(key, 4)
    positions = jax.random.uniform(k1, (B, S, 3), dtype=jnp.float32)
    x = jax.random.normal(k2, (B, S, C), dtype=jnp.float32)
    poca_w = jax.random.normal(k3, (C, 3), dtype=jnp.float32) * 0.05
    poca_b = jnp.zeros((3,), dtype=jnp.float32)
    conv_w = jax.random.normal(k4, (C + 1, C), dtype=jnp.float32) * 0.05
    conv_b = jnp.zeros((C,), dtype=jnp.float32)
    return {"positions": positions, "x": x, "poca_w": poca_w, "poca_b": poca_b, "conv_w": conv_w, "conv_b": conv_b}


def reference(positions, x, poca_w, poca_b, conv_w, conv_b):
    b, s = x.shape[0], x.shape[1]
    offs_f = jnp.asarray(_offs, dtype=jnp.float32)
    offs_i = jnp.asarray(_offs, dtype=jnp.int32)
    chan = jnp.asarray(_chan, dtype=jnp.int32)

    corrections = 0.1 * jax.nn.sigmoid(x @ poca_w + poca_b)
    pos = (positions + corrections) * R

    # fractional offsets relative to nearest voxel (rint = round half-to-even)
    frac = pos - jnp.round(pos)
    off = frac[:, :, None, :] + offs_f  # [b, s, P^3, 3]
    gaussian = jnp.exp(-jnp.square(jnp.linalg.norm(off, axis=-1) / STD))  # [b, s, P^3]

    # weighted features: einsum('bdy,bdxy->bdxy') with gaussian broadcast over channels
    vals = x[:, :, None, :] * gaussian[:, :, :, None]  # [b, s, P^3, C]

    pos_i = pos.astype(jnp.int32)  # truncation (positions are non-negative)
    grid_idx = jnp.clip(pos_i[:, :, None, :] + offs_i, 0, R - 1)  # [b, s, P^3, 3]
    grid_idx = jnp.repeat(grid_idx, C, axis=2)  # [b, s, P^3*C, 3]

    batch = jnp.arange(b, dtype=jnp.int32)[:, None, None]  # [b,1,1]
    lin = batch * R + grid_idx[..., 0]
    lin = lin * R + grid_idx[..., 1]
    lin = lin * R + grid_idx[..., 2]
    lin = lin * C + chan  # chan broadcasts over [b, s, P^3*C]
    lin = lin.reshape(-1)

    feats = vals.reshape(-1)
    total = b * R * R * R * C
    scattered = jnp.zeros((total,), dtype=jnp.float32).at[lin].add(feats)
    counts = jnp.zeros((total,), dtype=jnp.float32).at[lin].add(jnp.ones_like(feats))
    scattered = scattered.reshape(b, R, R, R, C)
    counts = counts.reshape(b, R, R, R, C)

    out = jnp.concatenate([scattered, counts[..., 0:1]], axis=-1)
    return out @ conv_w + conv_b

if __name__ == "__main__":
    import jax
    _d = setup_inputs()
    print(jax.jit(kernel)(*tuple(_d.values())))

</pallas_src>

<mosaic_0001>
#map = affine_map<(d0, d1) -> (0)>
#map1 = affine_map<(d0, d1) -> (0, 0)>
module attributes {stable_mosaic.version = 14 : i64} {
  func.func @_scatter_body(%arg0: i32, %arg1: i32, %arg2: memref<4096xi32, #tpu.memory_space<hbm>>, %arg3: memref<4096xi32, #tpu.memory_space<hbm>>, %arg4: memref<4096xi32, #tpu.memory_space<hbm>>, %arg5: memref<4096xf32, #tpu.memory_space<hbm>>, %arg6: memref<4096xf32, #tpu.memory_space<hbm>>, %arg7: memref<4x262144xf32, #tpu.memory_space<hbm>>, %arg8: memref<4x262144xf32, #tpu.memory_space<hbm>>, %arg9: memref<4x262144xf32, #tpu.memory_space<hbm>>, %arg10: memref<1024xi32, #tpu.memory_space<vmem>>, %arg11: memref<1024xi32, #tpu.memory_space<vmem>>, %arg12: memref<1024xi32, #tpu.memory_space<vmem>>, %arg13: memref<1024xf32, #tpu.memory_space<vmem>>, %arg14: memref<1024xf32, #tpu.memory_space<vmem>>, %arg15: memref<32768xf32, #tpu.memory_space<vmem>>, %arg16: memref<32768xf32, #tpu.memory_space<vmem>>, %arg17: memref<32768xf32, #tpu.memory_space<vmem>>) attributes {dimension_semantics = [#tpu.dimension_semantics<core_parallel>, #tpu.dimension_semantics<subcore_parallel>], iteration_bounds = array<i64: 2, 16>, scalar_prefetch = 0 : i64, scratch_operands = 8 : i64, tpu.core_type = #tpu.core_type<sc_vector_subcore>, window_params = [{transform_indices = #map}, {transform_indices = #map}, {transform_indices = #map}, {transform_indices = #map}, {transform_indices = #map}, {transform_indices = #map1}, {transform_indices = #map1}, {transform_indices = #map1}]} {
    %mul3A = arith.constant 16 : i32
    %mul3A_0 = arith.muli %arg0, %mul3A : i32
    %add3A = arith.addi %mul3A_0, %arg1 : i32
    %shift_right_arithmetic3A = arith.constant 3 : i32
    %shift_right_arithmetic3A_1 = arith.shrsi %add3A, %shift_right_arithmetic3A : i32
    %and3A = arith.constant 7 : i32
    %and3A_2 = arith.andi %add3A, %and3A : i32
    %mul3A_3 = arith.constant 8 : i32
    %mul3A_4 = arith.muli %and3A_2, %mul3A_3 : i32
    %mul3A_5 = arith.constant 1024 : i32
    %mul3A_6 = arith.muli %shift_right_arithmetic3A_1, %mul3A_5 : i32
    %broadcast_in_dim3A = arith.constant 0.000000e+00 : f32
    %broadcast_in_dim3A_7 = vector.broadcast %broadcast_in_dim3A : f32 to vector<16xf32>
    %scan3A = arith.constant 0 : i32
    %scan3A_8 = arith.constant 0 : i32
    %scan3A_9 = arith.constant 2048 : i32
    %scan3A_10 = arith.addi %scan3A_8, %scan3A_9 : i32
    %scan3A_11 = arith.constant 1 : i32
    %scan3A_12 = scf.for %scan3A_29 = %scan3A_8 to %scan3A_10 step %scan3A_11 iter_args(%scan3A_30 = %scan3A) -> (i32)  : i32 {
      %mul3A_31 = arith.constant 16 : i32
      %mul3A_32 = arith.muli %scan3A_29, %mul3A_31 : i32
      %swap3A = arith.index_cast %mul3A_32 : i32 to index
      %swap3A_33 = tpu.vector_load %arg15[%swap3A] {strides = array<i32>} : memref<32768xf32, #tpu.memory_space<vmem>>, vector<16xf32>,
      tpu.vector_store %arg15[%swap3A], %broadcast_in_dim3A_7 {strides = array<i32>} : memref<32768xf32, #tpu.memory_space<vmem>>, vector<16xf32>,
      %swap3A_34 = arith.index_cast %mul3A_32 : i32 to index
      %swap3A_35 = tpu.vector_load %arg16[%swap3A_34] {strides = array<i32>} : memref<32768xf32, #tpu.memory_space<vmem>>, vector<16xf32>,
      tpu.vector_store %arg16[%swap3A_34], %broadcast_in_dim3A_7 {strides = array<i32>} : memref<32768xf32, #tpu.memory_space<vmem>>, vector<16xf32>,
      %swap3A_36 = arith.index_cast %mul3A_32 : i32 to index
      %swap3A_37 = tpu.vector_load %arg17[%swap3A_36] {strides = array<i32>} : memref<32768xf32, #tpu.memory_space<vmem>>, vector<16xf32>,
      tpu.vector_store %arg17[%swap3A_36], %broadcast_in_dim3A_7 {strides = array<i32>} : memref<32768xf32, #tpu.memory_space<vmem>>, vector<16xf32>,
      %scan3A_38 = arith.constant 0 : i32
      scf.yield %scan3A_38 : i32
    }
    %scan3A_13 = arith.constant 2048 : i32
    "tpu.region"() ({
      %run_scoped3A = tpu.sem_alloc : memref<!tpu.dma_semaphore, #tpu.memory_space<semaphore_mem>>
      %dma_start3A = tpu.memref_slice %arg2[%mul3A_6] : memref<4096xi32, #tpu.memory_space<hbm>> -> memref<1024xi32, #tpu.memory_space<hbm>>
      %dma_start3A_29 = tpu.memref_slice %arg2[%mul3A_6] : memref<4096xi32, #tpu.memory_space<hbm>> -> memref<1024xi32, #tpu.memory_space<hbm>>
      tpu.enqueue_dma source(%dma_start3A_29 : memref<1024xi32, #tpu.memory_space<hbm>>) target(%arg10 : memref<1024xi32, #tpu.memory_space<vmem>>) target_semaphore(%run_scoped3A : memref<!tpu.dma_semaphore, #tpu.memory_space<semaphore_mem>>)
      %dma_wait3A = tpu.memref_slice %arg2[%mul3A_6] : memref<4096xi32, #tpu.memory_space<hbm>> -> memref<1024xi32, #tpu.memory_space<hbm>>
      %dma_wait3A_30 = tpu.memref_slice %arg2[%mul3A_6] : memref<4096xi32, #tpu.memory_space<hbm>> -> memref<1024xi32, #tpu.memory_space<hbm>>
      tpu.wait_dma2 semaphore(%run_scoped3A : memref<!tpu.dma_semaphore, #tpu.memory_space<semaphore_mem>>) src(%dma_wait3A_30 : memref<1024xi32, #tpu.memory_space<hbm>>) dst(%arg10 : memref<1024xi32, #tpu.memory_space<vmem>>)
      tpu.yield
    }) : () -> ()
    "tpu.region"() ({
      %run_scoped3A = tpu.sem_alloc : memref<!tpu.dma_semaphore, #tpu.memory_space<semaphore_mem>>
      %dma_start3A = tpu.memref_slice %arg3[%mul3A_6] : memref<4096xi32, #tpu.memory_space<hbm>> -> memref<1024xi32, #tpu.memory_space<hbm>>
      %dma_start3A_29 = tpu.memref_slice %arg3[%mul3A_6] : memref<4096xi32, #tpu.memory_space<hbm>> -> memref<1024xi32, #tpu.memory_space<hbm>>
      tpu.enqueue_dma source(%dma_start3A_29 : memref<1024xi32, #tpu.memory_space<hbm>>) target(%arg11 : memref<1024xi32, #tpu.memory_space<vmem>>) target_semaphore(%run_scoped3A : memref<!tpu.dma_semaphore, #tpu.memory_space<semaphore_mem>>)
      %dma_wait3A = tpu.memref_slice %arg3[%mul3A_6] : memref<4096xi32, #tpu.memory_space<hbm>> -> memref<1024xi32, #tpu.memory_space<hbm>>
      %dma_wait3A_30 = tpu.memref_slice %arg3[%mul3A_6] : memref<4096xi32, #tpu.memory_space<hbm>> -> memref<1024xi32, #tpu.memory_space<hbm>>
      tpu.wait_dma2 semaphore(%run_scoped3A : memref<!tpu.dma_semaphore, #tpu.memory_space<semaphore_mem>>) src(%dma_wait3A_30 : memref<1024xi32, #tpu.memory_space<hbm>>) dst(%arg11 : memref<1024xi32, #tpu.memory_space<vmem>>)
      tpu.yield
    }) : () -> ()
    "tpu.region"() ({
      %run_scoped3A = tpu.sem_alloc : memref<!tpu.dma_semaphore, #tpu.memory_space<semaphore_mem>>
      %dma_start3A = tpu.memref_slice %arg4[%mul3A_6] : memref<4096xi32, #tpu.memory_space<hbm>> -> memref<1024xi32, #tpu.memory_space<hbm>>
      %dma_start3A_29 = tpu.memref_slice %arg4[%mul3A_6] : memref<4096xi32, #tpu.memory_space<hbm>> -> memref<1024xi32, #tpu.memory_space<hbm>>
      tpu.enqueue_dma source(%dma_start3A_29 : memref<1024xi32, #tpu.memory_space<hbm>>) target(%arg12 : memref<1024xi32, #tpu.memory_space<vmem>>) target_semaphore(%run_scoped3A : memref<!tpu.dma_semaphore, #tpu.memory_space<semaphore_mem>>)
      %dma_wait3A = tpu.memref_slice %arg4[%mul3A_6] : memref<4096xi32, #tpu.memory_space<hbm>> -> memref<1024xi32, #tpu.memory_space<hbm>>
      %dma_wait3A_30 = tpu.memref_slice %arg4[%mul3A_6] : memref<4096xi32, #tpu.memory_space<hbm>> -> memref<1024xi32, #tpu.memory_space<hbm>>
      tpu.wait_dma2 semaphore(%run_scoped3A : memref<!tpu.dma_semaphore, #tpu.memory_space<semaphore_mem>>) src(%dma_wait3A_30 : memref<1024xi32, #tpu.memory_space<hbm>>) dst(%arg12 : memref<1024xi32, #tpu.memory_space<vmem>>)
      tpu.yield
    }) : () -> ()
    "tpu.region"() ({
      %run_scoped3A = tpu.sem_alloc : memref<!tpu.dma_semaphore, #tpu.memory_space<semaphore_mem>>
      %dma_start3A = tpu.memref_slice %arg5[%mul3A_6] : memref<4096xf32, #tpu.memory_space<hbm>> -> memref<1024xf32, #tpu.memory_space<hbm>>
      %dma_start3A_29 = tpu.memref_slice %arg5[%mul3A_6] : memref<4096xf32, #tpu.memory_space<hbm>> -> memref<1024xf32, #tpu.memory_space<hbm>>
      tpu.enqueue_dma source(%dma_start3A_29 : memref<1024xf32, #tpu.memory_space<hbm>>) target(%arg13 : memref<1024xf32, #tpu.memory_space<vmem>>) target_semaphore(%run_scoped3A : memref<!tpu.dma_semaphore, #tpu.memory_space<semaphore_mem>>)
      %dma_wait3A = tpu.memref_slice %arg5[%mul3A_6] : memref<4096xf32, #tpu.memory_space<hbm>> -> memref<1024xf32, #tpu.memory_space<hbm>>
      %dma_wait3A_30 = tpu.memref_slice %arg5[%mul3A_6] : memref<4096xf32, #tpu.memory_space<hbm>> -> memref<1024xf32, #tpu.memory_space<hbm>>
      tpu.wait_dma2 semaphore(%run_scoped3A : memref<!tpu.dma_semaphore, #tpu.memory_space<semaphore_mem>>) src(%dma_wait3A_30 : memref<1024xf32, #tpu.memory_space<hbm>>) dst(%arg13 : memref<1024xf32, #tpu.memory_space<vmem>>)
      tpu.yield
    }) : () -> ()
    "tpu.region"() ({
      %run_scoped3A = tpu.sem_alloc : memref<!tpu.dma_semaphore, #tpu.memory_space<semaphore_mem>>
      %dma_start3A = tpu.memref_slice %arg6[%mul3A_6] : memref<4096xf32, #tpu.memory_space<hbm>> -> memref<1024xf32, #tpu.memory_space<hbm>>
      %dma_start3A_29 = tpu.memref_slice %arg6[%mul3A_6] : memref<4096xf32, #tpu.memory_space<hbm>> -> memref<1024xf32, #tpu.memory_space<hbm>>
      tpu.enqueue_dma source(%dma_start3A_29 : memref<1024xf32, #tpu.memory_space<hbm>>) target(%arg14 : memref<1024xf32, #tpu.memory_space<vmem>>) target_semaphore(%run_scoped3A : memref<!tpu.dma_semaphore, #tpu.memory_space<semaphore_mem>>)
      %dma_wait3A = tpu.memref_slice %arg6[%mul3A_6] : memref<4096xf32, #tpu.memory_space<hbm>> -> memref<1024xf32, #tpu.memory_space<hbm>>
      %dma_wait3A_30 = tpu.memref_slice %arg6[%mul3A_6] : memref<4096xf32, #tpu.memory_space<hbm>> -> memref<1024xf32, #tpu.memory_space<hbm>>
      tpu.wait_dma2 semaphore(%run_scoped3A : memref<!tpu.dma_semaphore, #tpu.memory_space<semaphore_mem>>) src(%dma_wait3A_30 : memref<1024xf32, #tpu.memory_space<hbm>>) dst(%arg14 : memref<1024xf32, #tpu.memory_space<vmem>>)
      tpu.yield
    }) : () -> ()
    %broadcast_in_dim3A_14 = arith.constant 1.600000e+01 : f32
    %broadcast_in_dim3A_15 = vector.broadcast %broadcast_in_dim3A_14 : f32 to vector<16xf32>
    %broadcast_in_dim3A_16 = arith.constant 1.300000e+01 : f32
    %broadcast_in_dim3A_17 = vector.broadcast %broadcast_in_dim3A_16 : f32 to vector<16xf32>
    %scan3A_18 = arith.constant 0 : i32
    %scan3A_19 = arith.constant 0 : i32
    %scan3A_20 = arith.constant 64 : i32
    %scan3A_21 = arith.addi %scan3A_19, %scan3A_20 : i32
    %scan3A_22 = arith.constant 1 : i32
    %scan3A_23 = scf.for %scan3A_29 = %scan3A_19 to %scan3A_21 step %scan3A_22 iter_args(%scan3A_30 = %scan3A_18) -> (i32)  : i32 {
      %mul3A_31 = arith.constant 16 : i32
      %mul3A_32 = arith.muli %scan3A_29, %mul3A_31 : i32
      %get3A = arith.index_cast %mul3A_32 : i32 to index
      %get3A_33 = tpu.vector_load %arg10[%get3A] {strides = array<i32>} : memref<1024xi32, #tpu.memory_space<vmem>>, vector<16xi32>,
      %get3A_34 = arith.index_cast %mul3A_32 : i32 to index
      %get3A_35 = tpu.vector_load %arg11[%get3A_34] {strides = array<i32>} : memref<1024xi32, #tpu.memory_space<vmem>>, vector<16xi32>,
      %get3A_36 = arith.index_cast %mul3A_32 : i32 to index
      %get3A_37 = tpu.vector_load %arg12[%get3A_36] {strides = array<i32>} : memref<1024xi32, #tpu.memory_space<vmem>>, vector<16xi32>,
      %get3A_38 = arith.index_cast %mul3A_32 : i32 to index
      %get3A_39 = tpu.vector_load %arg13[%get3A_38] {strides = array<i32>} : memref<1024xf32, #tpu.memory_space<vmem>>, vector<16xf32>,
      %get3A_40 = arith.index_cast %mul3A_32 : i32 to index
      %get3A_41 = tpu.vector_load %arg14[%get3A_40] {strides = array<i32>} : memref<1024xf32, #tpu.memory_space<vmem>>, vector<16xf32>,
      %sub3A = arith.constant 2 : i32
      %sub3A_42 = vector.broadcast %sub3A : i32 to vector<16xi32>
      %sub3A_43 = arith.subi %get3A_33, %sub3A_42 : vector<16xi32>
      %max3A = arith.constant 0 : i32
      %max3A_44 = vector.broadcast %max3A : i32 to vector<16xi32>
      %max3A_45 = arith.maxsi %sub3A_43, %max3A_44 : vector<16xi32>
      %min3A = arith.constant 63 : i32
      %min3A_46 = vector.broadcast %min3A : i32 to vector<16xi32>
      %min3A_47 = arith.minsi %max3A_45, %min3A_46 : vector<16xi32>
      %sub3A_48 = vector.broadcast %mul3A_4 : i32 to vector<16xi32>
      %sub3A_49 = arith.subi %min3A_47, %sub3A_48 : vector<16xi32>
      %sub3A_50 = arith.constant 1 : i32
      %sub3A_51 = vector.broadcast %sub3A_50 : i32 to vector<16xi32>
      %sub3A_52 = arith.subi %get3A_33, %sub3A_51 : vector<16xi32>
      %max3A_53 = arith.constant 0 : i32
      %max3A_54 = vector.broadcast %max3A_53 : i32 to vector<16xi32>
      %max3A_55 = arith.maxsi %sub3A_52, %max3A_54 : vector<16xi32>
      %min3A_56 = arith.constant 63 : i32
      %min3A_57 = vector.broadcast %min3A_56 : i32 to vector<16xi32>
      %min3A_58 = arith.minsi %max3A_55, %min3A_57 : vector<16xi32>
      %sub3A_59 = vector.broadcast %mul3A_4 : i32 to vector<16xi32>
      %sub3A_60 = arith.subi %min3A_58, %sub3A_59 : vector<16xi32>
      %ge3A = arith.constant 0 : i32
      %ge3A_61 = vector.broadcast %ge3A : i32 to vector<16xi32>
      %ge3A_62 = arith.cmpi sge, %sub3A_49, %ge3A_61 : vector<16xi32>
      %lt3A = arith.constant 8 : i32
      %lt3A_63 = vector.broadcast %lt3A : i32 to vector<16xi32>
      %lt3A_64 = arith.cmpi slt, %sub3A_49, %lt3A_63 : vector<16xi32>
      %and3A_65 = arith.andi %ge3A_62, %lt3A_64 : vector<16xi1>
      %ge3A_66 = arith.constant 0 : i32
      %ge3A_67 = vector.broadcast %ge3A_66 : i32 to vector<16xi32>
      %ge3A_68 = arith.cmpi sge, %sub3A_60, %ge3A_67 : vector<16xi32>
      %lt3A_69 = arith.constant 8 : i32
      %lt3A_70 = vector.broadcast %lt3A_69 : i32 to vector<16xi32>
      %lt3A_71 = arith.cmpi slt, %sub3A_60, %lt3A_70 : vector<16xi32>
      %and3A_72 = arith.andi %ge3A_68, %lt3A_71 : vector<16xi1>
      %sub3A_73 = arith.constant 2 : i32
      %sub3A_74 = vector.broadcast %sub3A_73 : i32 to vector<16xi32>
      %sub3A_75 = arith.subi %get3A_35, %sub3A_74 : vector<16xi32>
      %max3A_76 = arith.constant 0 : i32
      %max3A_77 = vector.broadcast %max3A_76 : i32 to vector<16xi32>
      %max3A_78 = arith.maxsi %sub3A_75, %max3A_77 : vector<16xi32>
      %min3A_79 = arith.constant 63 : i32
      %min3A_80 = vector.broadcast %min3A_79 : i32 to vector<16xi32>
      %min3A_81 = arith.minsi %max3A_78, %min3A_80 : vector<16xi32>
      %mul3A_82 = arith.constant 64 : i32
      %mul3A_83 = vector.broadcast %mul3A_82 : i32 to vector<16xi32>
      %mul3A_84 = arith.muli %min3A_81, %mul3A_83 : vector<16xi32>
      %sub3A_85 = arith.constant 2 : i32
      %sub3A_86 = vector.broadcast %sub3A_85 : i32 to vector<16xi32>
      %sub3A_87 = arith.subi %get3A_37, %sub3A_86 : vector<16xi32>
      %max3A_88 = arith.constant 0 : i32
      %max3A_89 = vector.broadcast %max3A_88 : i32 to vector<16xi32>
      %max3A_90 = arith.maxsi %sub3A_87, %max3A_89 : vector<16xi32>
      %min3A_91 = arith.constant 63 : i32
      %min3A_92 = vector.broadcast %min3A_91 : i32 to vector<16xi32>
      %min3A_93 = arith.minsi %max3A_90, %min3A_92 : vector<16xi32>
      %sub3A_94 = arith.constant 1 : i32
      %sub3A_95 = vector.broadcast %sub3A_94 : i32 to vector<16xi32>
      %sub3A_96 = arith.subi %get3A_37, %sub3A_95 : vector<16xi32>
      %max3A_97 = arith.constant 0 : i32
      %max3A_98 = vector.broadcast %max3A_97 : i32 to vector<16xi32>
      %max3A_99 = arith.maxsi %sub3A_96, %max3A_98 : vector<16xi32>
      %min3A_100 = arith.constant 63 : i32
      %min3A_101 = vector.broadcast %min3A_100 : i32 to vector<16xi32>
      %min3A_102 = arith.minsi %max3A_99, %min3A_101 : vector<16xi32>
      %max3A_103 = arith.constant 0 : i32
      %max3A_104 = vector.broadcast %max3A_103 : i32 to vector<16xi32>
      %max3A_105 = arith.maxsi %get3A_37, %max3A_104 : vector<16xi32>
      %min3A_106 = arith.constant 63 : i32
      %min3A_107 = vector.broadcast %min3A_106 : i32 to vector<16xi32>
      %min3A_108 = arith.minsi %max3A_105, %min3A_107 : vector<16xi32>
      %add3A_109 = arith.constant 1 : i32
      %add3A_110 = vector.broadcast %add3A_109 : i32 to vector<16xi32>
      %add3A_111 = arith.addi %get3A_37, %add3A_110 : vector<16xi32>
      %max3A_112 = arith.constant 0 : i32
      %max3A_113 = vector.broadcast %max3A_112 : i32 to vector<16xi32>
      %max3A_114 = arith.maxsi %add3A_111, %max3A_113 : vector<16xi32>
      %min3A_115 = arith.constant 63 : i32
      %min3A_116 = vector.broadcast %min3A_115 : i32 to vector<16xi32>
      %min3A_117 = arith.minsi %max3A_114, %min3A_116 : vector<16xi32>
      %add3A_118 = arith.constant 2 : i32
      %add3A_119 = vector.broadcast %add3A_118 : i32 to vector<16xi32>
      %add3A_120 = arith.addi %get3A_37, %add3A_119 : vector<16xi32>
      %max3A_121 = arith.constant 0 : i32
      %max3A_122 = vector.broadcast %max3A_121 : i32 to vector<16xi32>
      %max3A_123 = arith.maxsi %add3A_120, %max3A_122 : vector<16xi32>
      %min3A_124 = arith.constant 63 : i32
      %min3A_125 = vector.broadcast %min3A_124 : i32 to vector<16xi32>
      %min3A_126 = arith.minsi %max3A_123, %min3A_125 : vector<16xi32>
      %mul3A_127 = arith.constant 4096 : i32
      %mul3A_128 = vector.broadcast %mul3A_127 : i32 to vector<16xi32>
      %mul3A_129 = arith.muli %sub3A_49, %mul3A_128 : vector<16xi32>
      %add3A_130 = arith.addi %mul3A_129, %mul3A_84 : vector<16xi32>
      %add3A_131 = arith.addi %add3A_130, %min3A_93 : vector<16xi32>
      tpu.vector_store_idx %arg15[%add3A_131], %broadcast_in_dim3A_15 masked %and3A_65 {add = true} : memref<32768xf32, #tpu.memory_space<vmem>>[vector<16xi32>], vector<16xf32>, vector<16xi1>
      %mul3A_132 = arith.constant 4096 : i32
      %mul3A_133 = vector.broadcast %mul3A_132 : i32 to vector<16xi32>
      %mul3A_134 = arith.muli %sub3A_49, %mul3A_133 : vector<16xi32>
      %add3A_135 = arith.addi %mul3A_134, %mul3A_84 : vector<16xi32>
      %add3A_136 = arith.addi %add3A_135, %min3A_102 : vector<16xi32>
      tpu.vector_store_idx %arg15[%add3A_136], %broadcast_in_dim3A_15 masked %and3A_65 {add = true} : memref<32768xf32, #tpu.memory_space<vmem>>[vector<16xi32>], vector<16xf32>, vector<16xi1>
      %mul3A_137 = arith.constant 4096 : i32
      %mul3A_138 = vector.broadcast %mul3A_137 : i32 to vector<16xi32>
      %mul3A_139 = arith.muli %sub3A_49, %mul3A_138 : vector<16xi32>
      %add3A_140 = arith.addi %mul3A_139, %mul3A_84 : vector<16xi32>
      %add3A_141 = arith.addi %add3A_140, %min3A_108 : vector<16xi32>
      tpu.vector_store_idx %arg15[%add3A_141], %broadcast_in_dim3A_15 masked %and3A_65 {add = true} : memref<32768xf32, #tpu.memory_space<vmem>>[vector<16xi32>], vector<16xf32>, vector<16xi1>
      %mul3A_142 = arith.constant 4096 : i32
      %mul3A_143 = vector.broadcast %mul3A_142 : i32 to vector<16xi32>
      %mul3A_144 = arith.muli %sub3A_49, %mul3A_143 : vector<16xi32>
      %add3A_145 = arith.addi %mul3A_144, %mul3A_84 : vector<16xi32>
      %add3A_146 = arith.addi %add3A_145, %min3A_117 : vector<16xi32>
      tpu.vector_store_idx %arg15[%add3A_146], %broadcast_in_dim3A_15 masked %and3A_65 {add = true} : memref<32768xf32, #tpu.memory_space<vmem>>[vector<16xi32>], vector<16xf32>, vector<16xi1>
      %mul3A_147 = arith.constant 4096 : i32
      %mul3A_148 = vector.broadcast %mul3A_147 : i32 to vector<16xi32>
      %mul3A_149 = arith.muli %sub3A_49, %mul3A_148 : vector<16xi32>
      %add3A_150 = arith.addi %mul3A_149, %mul3A_84 : vector<16xi32>
      %add3A_151 = arith.addi %add3A_150, %min3A_126 : vector<16xi32>
      tpu.vector_store_idx %arg15[%add3A_151], %broadcast_in_dim3A_15 masked %and3A_65 {add = true} : memref<32768xf32, #tpu.memory_space<vmem>>[vector<16xi32>], vector<16xf32>, vector<16xi1>
      %mul3A_152 = arith.constant 4096 : i32
      %mul3A_153 = vector.broadcast %mul3A_152 : i32 to vector<16xi32>
      %mul3A_154 = arith.muli %sub3A_60, %mul3A_153 : vector<16xi32>
      %add3A_155 = arith.addi %mul3A_154, %mul3A_84 : vector<16xi32>
      %add3A_156 = arith.addi %add3A_155, %min3A_93 : vector<16xi32>
      tpu.vector_store_idx %arg15[%add3A_156], %broadcast_in_dim3A_15 masked %and3A_72 {add = true} : memref<32768xf32, #tpu.memory_space<vmem>>[vector<16xi32>], vector<16xf32>, vector<16xi1>
      %mul3A_157 = arith.constant 4096 : i32
      %mul3A_158 = vector.broadcast %mul3A_157 : i32 to vector<16xi32>
      %mul3A_159 = arith.muli %sub3A_60, %mul3A_158 : vector<16xi32>
      %add3A_160 = arith.addi %mul3A_159, %mul3A_84 : vector<16xi32>
      %add3A_161 = arith.addi %add3A_160, %min3A_102 : vector<16xi32>
      tpu.vector_store_idx %arg15[%add3A_161], %broadcast_in_dim3A_15 masked %and3A_72 {add = true} : memref<32768xf32, #tpu.memory_space<vmem>>[vector<16xi32>], vector<16xf32>, vector<16xi1>
      %mul3A_162 = arith.constant 4096 : i32
      %mul3A_163 = vector.broadcast %mul3A_162 : i32 to vector<16xi32>
      %mul3A_164 = arith.muli %sub3A_60, %mul3A_163 : vector<16xi32>
      %add3A_165 = arith.addi %mul3A_164, %mul3A_84 : vector<16xi32>
      %add3A_166 = arith.addi %add3A_165, %min3A_108 : vector<16xi32>
      tpu.vector_store_idx %arg15[%add3A_166], %broadcast_in_dim3A_17 masked %and3A_72 {add = true} : memref<32768xf32, #tpu.memory_space<vmem>>[vector<16xi32>], vector<16xf32>, vector<16xi1>
      %max3A_167 = arith.constant 0 : i32
      %max3A_168 = vector.broadcast %max3A_167 : i32 to vector<16xi32>
      %max3A_169 = arith.maxsi %get3A_33, %max3A_168 : vector<16xi32>
      %min3A_170 = arith.constant 63 : i32
      %min3A_171 = vector.broadcast %min3A_170 : i32 to vector<16xi32>
      %min3A_172 = arith.minsi %max3A_169, %min3A_171 : vector<16xi32>
      %sub3A_173 = vector.broadcast %mul3A_4 : i32 to vector<16xi32>
      %sub3A_174 = arith.subi %min3A_172, %sub3A_173 : vector<16xi32>
      %ge3A_175 = arith.constant 0 : i32
      %ge3A_176 = vector.broadcast %ge3A_175 : i32 to vector<16xi32>
      %ge3A_177 = arith.cmpi sge, %sub3A_174, %ge3A_176 : vector<16xi32>
      %lt3A_178 = arith.constant 8 : i32
      %lt3A_179 = vector.broadcast %lt3A_178 : i32 to vector<16xi32>
      %lt3A_180 = arith.cmpi slt, %sub3A_174, %lt3A_179 : vector<16xi32>
      %and3A_181 = arith.andi %ge3A_177, %lt3A_180 : vector<16xi1>
      %mul3A_182 = arith.constant 4096 : i32
      %mul3A_183 = vector.broadcast %mul3A_182 : i32 to vector<16xi32>
      %mul3A_184 = arith.muli %sub3A_174, %mul3A_183 : vector<16xi32>
      %max3A_185 = arith.constant 0 : i32
      %max3A_186 = vector.broadcast %max3A_185 : i32 to vector<16xi32>
      %max3A_187 = arith.maxsi %get3A_35, %max3A_186 : vector<16xi32>
      %min3A_188 = arith.constant 63 : i32
      %min3A_189 = vector.broadcast %min3A_188 : i32 to vector<16xi32>
      %min3A_190 = arith.minsi %max3A_187, %min3A_189 : vector<16xi32>
      %mul3A_191 = arith.constant 64 : i32
      %mul3A_192 = vector.broadcast %mul3A_191 : i32 to vector<16xi32>
      %mul3A_193 = arith.muli %min3A_190, %mul3A_192 : vector<16xi32>
      %add3A_194 = arith.addi %mul3A_184, %mul3A_193 : vector<16xi32>
      %add3A_195 = arith.addi %add3A_194, %min3A_108 : vector<16xi32>
      tpu.vector_store_idx %arg16[%add3A_195], %get3A_39 masked %and3A_181 {add = true} : memref<32768xf32, #tpu.memory_space<vmem>>[vector<16xi32>], vector<16xf32>, vector<16xi1>
      tpu.vector_store_idx %arg17[%add3A_195], %get3A_41 masked %and3A_181 {add = true} : memref<32768xf32, #tpu.memory_space<vmem>>[vector<16xi32>], vector<16xf32>, vector<16xi1>
      %scan3A_196 = arith.constant 0 : i32
      scf.yield %scan3A_196 : i32
    }
    %scan3A_24 = arith.constant 64 : i32
    %mul3A_25 = arith.constant 64 : i32
    %mul3A_26 = arith.muli %mul3A_4, %mul3A_25 : i32
    %mul3A_27 = arith.constant 64 : i32
    %mul3A_28 = arith.muli %mul3A_26, %mul3A_27 : i32
    "tpu.region"() ({
      %run_scoped3A = tpu.sem_alloc : memref<!tpu.dma_semaphore, #tpu.memory_space<semaphore_mem>>
      %dma_start3A = tpu.memref_slice %arg7[%shift_right_arithmetic3A_1, %mul3A_28] : memref<4x262144xf32, #tpu.memory_space<hbm>> -> memref<1x32768xf32, #tpu.memory_space<hbm>>
      %dma_start3A_29 = tpu.memref_squeeze %dma_start3A : memref<1x32768xf32, #tpu.memory_space<hbm>> -> memref<32768xf32, #tpu.memory_space<hbm>>
      %dma_start3A_30 = tpu.memref_slice %arg7[%shift_right_arithmetic3A_1, %mul3A_28] : memref<4x262144xf32, #tpu.memory_space<hbm>> -> memref<1x32768xf32, #tpu.memory_space<hbm>>
      %dma_start3A_31 = tpu.memref_squeeze %dma_start3A_30 : memref<1x32768xf32, #tpu.memory_space<hbm>> -> memref<32768xf32, #tpu.memory_space<hbm>>
      tpu.enqueue_dma source(%arg15 : memref<32768xf32, #tpu.memory_space<vmem>>) target(%dma_start3A_31 : memref<32768xf32, #tpu.memory_space<hbm>>) target_semaphore(%run_scoped3A : memref<!tpu.dma_semaphore, #tpu.memory_space<semaphore_mem>>)
      %dma_wait3A = tpu.memref_slice %arg7[%shift_right_arithmetic3A_1, %mul3A_28] : memref<4x262144xf32, #tpu.memory_space<hbm>> -> memref<1x32768xf32, #tpu.memory_space<hbm>>
      %dma_wait3A_32 = tpu.memref_squeeze %dma_wait3A : memref<1x32768xf32, #tpu.memory_space<hbm>> -> memref<32768xf32, #tpu.memory_space<hbm>>
      %dma_wait3A_33 = tpu.memref_slice %arg7[%shift_right_arithmetic3A_1, %mul3A_28] : memref<4x262144xf32, #tpu.memory_space<hbm>> -> memref<1x32768xf32, #tpu.memory_space<hbm>>
      %dma_wait3A_34 = tpu.memref_squeeze %dma_wait3A_33 : memref<1x32768xf32, #tpu.memory_space<hbm>> -> memref<32768xf32, #tpu.memory_space<hbm>>
      tpu.wait_dma2 semaphore(%run_scoped3A : memref<!tpu.dma_semaphore, #tpu.memory_space<semaphore_mem>>) src(%arg15 : memref<32768xf32, #tpu.memory_space<vmem>>) dst(%dma_wait3A_34 : memref<32768xf32, #tpu.memory_space<hbm>>)
      tpu.yield
    }) : () -> ()
    "tpu.region"() ({
      %run_scoped3A = tpu.sem_alloc : memref<!tpu.dma_semaphore, #tpu.memory_space<semaphore_mem>>
      %dma_start3A = tpu.memref_slice %arg8[%shift_right_arithmetic3A_1, %mul3A_28] : memref<4x262144xf32, #tpu.memory_space<hbm>> -> memref<1x32768xf32, #tpu.memory_space<hbm>>
      %dma_start3A_29 = tpu.memref_squeeze %dma_start3A : memref<1x32768xf32, #tpu.memory_space<hbm>> -> memref<32768xf32, #tpu.memory_space<hbm>>
      %dma_start3A_30 = tpu.memref_slice %arg8[%shift_right_arithmetic3A_1, %mul3A_28] : memref<4x262144xf32, #tpu.memory_space<hbm>> -> memref<1x32768xf32, #tpu.memory_space<hbm>>
      %dma_start3A_31 = tpu.memref_squeeze %dma_start3A_30 : memref<1x32768xf32, #tpu.memory_space<hbm>> -> memref<32768xf32, #tpu.memory_space<hbm>>
      tpu.enqueue_dma source(%arg16 : memref<32768xf32, #tpu.memory_space<vmem>>) target(%dma_start3A_31 : memref<32768xf32, #tpu.memory_space<hbm>>) target_semaphore(%run_scoped3A : memref<!tpu.dma_semaphore, #tpu.memory_space<semaphore_mem>>)
      %dma_wait3A = tpu.memref_slice %arg8[%shift_right_arithmetic3A_1, %mul3A_28] : memref<4x262144xf32, #tpu.memory_space<hbm>> -> memref<1x32768xf32, #tpu.memory_space<hbm>>
      %dma_wait3A_32 = tpu.memref_squeeze %dma_wait3A : memref<1x32768xf32, #tpu.memory_space<hbm>> -> memref<32768xf32, #tpu.memory_space<hbm>>
      %dma_wait3A_33 = tpu.memref_slice %arg8[%shift_right_arithmetic3A_1, %mul3A_28] : memref<4x262144xf32, #tpu.memory_space<hbm>> -> memref<1x32768xf32, #tpu.memory_space<hbm>>
      %dma_wait3A_34 = tpu.memref_squeeze %dma_wait3A_33 : memref<1x32768xf32, #tpu.memory_space<hbm>> -> memref<32768xf32, #tpu.memory_space<hbm>>
      tpu.wait_dma2 semaphore(%run_scoped3A : memref<!tpu.dma_semaphore, #tpu.memory_space<semaphore_mem>>) src(%arg16 : memref<32768xf32, #tpu.memory_space<vmem>>) dst(%dma_wait3A_34 : memref<32768xf32, #tpu.memory_space<hbm>>)
      tpu.yield
    }) : () -> ()
    "tpu.region"() ({
      %run_scoped3A = tpu.sem_alloc : memref<!tpu.dma_semaphore, #tpu.memory_space<semaphore_mem>>
      %dma_start3A = tpu.memref_slice %arg9[%shift_right_arithmetic3A_1, %mul3A_28] : memref<4x262144xf32, #tpu.memory_space<hbm>> -> memref<1x32768xf32, #tpu.memory_space<hbm>>
      %dma_start3A_29 = tpu.memref_squeeze %dma_start3A : memref<1x32768xf32, #tpu.memory_space<hbm>> -> memref<32768xf32, #tpu.memory_space<hbm>>
      %dma_start3A_30 = tpu.memref_slice %arg9[%shift_right_arithmetic3A_1, %mul3A_28] : memref<4x262144xf32, #tpu.memory_space<hbm>> -> memref<1x32768xf32, #tpu.memory_space<hbm>>
      %dma_start3A_31 = tpu.memref_squeeze %dma_start3A_30 : memref<1x32768xf32, #tpu.memory_space<hbm>> -> memref<32768xf32, #tpu.memory_space<hbm>>
      tpu.enqueue_dma source(%arg17 : memref<32768xf32, #tpu.memory_space<vmem>>) target(%dma_start3A_31 : memref<32768xf32, #tpu.memory_space<hbm>>) target_semaphore(%run_scoped3A : memref<!tpu.dma_semaphore, #tpu.memory_space<semaphore_mem>>)
      %dma_wait3A = tpu.memref_slice %arg9[%shift_right_arithmetic3A_1, %mul3A_28] : memref<4x262144xf32, #tpu.memory_space<hbm>> -> memref<1x32768xf32, #tpu.memory_space<hbm>>
      %dma_wait3A_32 = tpu.memref_squeeze %dma_wait3A : memref<1x32768xf32, #tpu.memory_space<hbm>> -> memref<32768xf32, #tpu.memory_space<hbm>>
      %dma_wait3A_33 = tpu.memref_slice %arg9[%shift_right_arithmetic3A_1, %mul3A_28] : memref<4x262144xf32, #tpu.memory_space<hbm>> -> memref<1x32768xf32, #tpu.memory_space<hbm>>
      %dma_wait3A_34 = tpu.memref_squeeze %dma_wait3A_33 : memref<1x32768xf32, #tpu.memory_space<hbm>> -> memref<32768xf32, #tpu.memory_space<hbm>>
      tpu.wait_dma2 semaphore(%run_scoped3A : memref<!tpu.dma_semaphore, #tpu.memory_space<semaphore_mem>>) src(%arg17 : memref<32768xf32, #tpu.memory_space<vmem>>) dst(%dma_wait3A_34 : memref<32768xf32, #tpu.memory_space<hbm>>)
      tpu.yield
    }) : () -> ()
    return
  }
}

module attributes {stable_mosaic.version = 14 : i64} {
  func.func @_prep_body(%arg0: memref<4096x3xf32, #tpu.memory_space<vmem>>, %arg1: memref<4096x16xf32, #tpu.memory_space<vmem>>, %arg2: memref<16x3xf32, #tpu.memory_space<vmem>>, %arg3: memref<1x3xf32, #tpu.memory_space<vmem>>, %arg4: memref<4096xi32, #tpu.memory_space<vmem>>, %arg5: memref<4096xi32, #tpu.memory_space<vmem>>, %arg6: memref<4096xi32, #tpu.memory_space<vmem>>, %arg7: memref<4096xf32, #tpu.memory_space<vmem>>, %arg8: memref<4096xf32, #tpu.memory_space<vmem>>) attributes {dimension_semantics = [], scalar_prefetch = 0 : i64, scratch_operands = 0 : i64, tpu.core_type = #tpu.core_type<tc>} {
    %get3A = arith.constant 0 : index
    %get3A_0 = arith.constant 0 : index
    %get3A_1 = vector.load %arg1[%get3A, %get3A_0] : memref<4096x16xf32, #tpu.memory_space<vmem>>, vector<4096x16xf32>
    %get3A_2 = arith.constant 0 : index
    %get3A_3 = arith.constant 0 : index
    %get3A_4 = vector.load %arg0[%get3A_2, %get3A_3] : memref<4096x3xf32, #tpu.memory_space<vmem>>, vector<4096x3xf32>
    %get3A_5 = arith.constant 0 : index
    %get3A_6 = arith.constant 0 : index
    %get3A_7 = vector.load %arg2[%get3A_5, %get3A_6] : memref<16x3xf32, #tpu.memory_space<vmem>>, vector<16x3xf32>
    %dot_general3A = arith.constant dense<0.000000e+00> : vector<4096x3xf32>
    %dot_general3A_8 = tpu.matmul %get3A_1, %get3A_7, %dot_general3A {dimension_numbers = #tpu.dot_dimension_numbers<[1], [0], [0], [1], [0, 0, 1, 1], [], []>, transpose_lhs_hint = false} : vector<4096x16xf32>, vector<16x3xf32>, vector<4096x3xf32> -> vector<4096x3xf32>
    %get3A_9 = arith.constant 0 : index
    %get3A_10 = arith.constant 0 : index
    %get3A_11 = vector.load %arg3[%get3A_9, %get3A_10] : memref<1x3xf32, #tpu.memory_space<vmem>>, vector<1x3xf32>
    %add3A = vector.broadcast %get3A_11 : vector<1x3xf32> to vector<4096x3xf32>
    %add3A_12 = arith.addf %dot_general3A_8, %add3A : vector<4096x3xf32>
    %logistic3A = arith.negf %add3A_12 : vector<4096x3xf32>
    %logistic3A_13 = math.exp %logistic3A : vector<4096x3xf32>
    %logistic3A_14 = arith.constant 1.000000e+00 : f32
    %logistic3A_15 = vector.broadcast %logistic3A_14 : f32 to vector<4096x3xf32>
    %logistic3A_16 = arith.addf %logistic3A_15, %logistic3A_13 : vector<4096x3xf32>
    %logistic3A_17 = arith.divf %logistic3A_15, %logistic3A_16 : vector<4096x3xf32>
    %mul3A = arith.constant 1.000000e-01 : f32
    %mul3A_18 = vector.broadcast %mul3A : f32 to vector<4096x3xf32>
    %mul3A_19 = arith.mulf %mul3A_18, %logistic3A_17 : vector<4096x3xf32>
    %add3A_20 = arith.addf %get3A_4, %mul3A_19 : vector<4096x3xf32>
    %mul3A_21 = arith.constant 6.400000e+01 : f32
    %mul3A_22 = vector.broadcast %mul3A_21 : f32 to vector<4096x3xf32>
    %mul3A_23 = arith.mulf %add3A_20, %mul3A_22 : vector<4096x3xf32>
    %round3A = math.roundeven %mul3A_23 : vector<4096x3xf32>
    %sub3A = arith.subf %mul3A_23, %round3A : vector<4096x3xf32>
    %mul3A_24 = arith.mulf %sub3A, %sub3A : vector<4096x3xf32>
    %reduce_sum3A = arith.constant dense<0.000000e+00> : vector<4096xf32>
    %reduce_sum3A_25 = vector.multi_reduction <add>, %mul3A_24, %reduce_sum3A [1] : vector<4096x3xf32> to vector<4096xf32>
    %neg3A = arith.constant 0.000000e+00 : f32
    %neg3A_26 = vector.broadcast %neg3A : f32 to vector<4096xf32>
    %neg3A_27 = arith.subf %neg3A_26, %reduce_sum3A_25 : vector<4096xf32>
    %mul3A_28 = arith.constant 11377.7773 : f32
    %mul3A_29 = vector.broadcast %mul3A_28 : f32 to vector<4096xf32>
    %mul3A_30 = arith.mulf %neg3A_27, %mul3A_29 : vector<4096xf32>
    %exp3A = math.exp %mul3A_30 : vector<4096xf32>
    %iota3A = tpu.iota {dimensions = array<i32: 1>} : vector<4096x16xi32>
    %lt3A = arith.constant 8 : i32
    %lt3A_31 = vector.broadcast %lt3A : i32 to vector<4096x16xi32>
    %lt3A_32 = arith.cmpi slt, %iota3A, %lt3A_31 : vector<4096x16xi32>
    %jit3A = arith.constant 0.000000e+00 : f32
    %broadcast_in_dim3A = vector.broadcast %jit3A : f32 to vector<4096x16xf32>
    %select_n3A = arith.select %lt3A_32, %get3A_1, %broadcast_in_dim3A : vector<4096x16xi1>, vector<4096x16xf32>
    %reduce_sum3A_33 = arith.constant dense<0.000000e+00> : vector<4096xf32>
    %reduce_sum3A_34 = vector.multi_reduction <add>, %select_n3A, %reduce_sum3A_33 [1] : vector<4096x16xf32> to vector<4096xf32>
    %ge3A = arith.constant 8 : i32
    %ge3A_35 = vector.broadcast %ge3A : i32 to vector<4096x16xi32>
    %ge3A_36 = arith.cmpi sge, %iota3A, %ge3A_35 : vector<4096x16xi32>
    %jit3A_37 = arith.constant 0.000000e+00 : f32
    %broadcast_in_dim3A_38 = vector.broadcast %jit3A_37 : f32 to vector<4096x16xf32>
    %select_n3A_39 = arith.select %ge3A_36, %get3A_1, %broadcast_in_dim3A_38 : vector<4096x16xi1>, vector<4096x16xf32>
    %reduce_sum3A_40 = arith.constant dense<0.000000e+00> : vector<4096xf32>
    %reduce_sum3A_41 = vector.multi_reduction <add>, %select_n3A_39, %reduce_sum3A_40 [1] : vector<4096x16xf32> to vector<4096xf32>
    %convert_element_type3A = arith.fptosi %mul3A_23 : vector<4096x3xf32> to vector<4096x3xi32>
    %iota3A_42 = tpu.iota {dimensions = array<i32: 1>} : vector<4096x3xi32>
    %eq3A = arith.constant 0 : i32
    %eq3A_43 = vector.broadcast %eq3A : i32 to vector<4096x3xi32>
    %eq3A_44 = arith.cmpi eq, %iota3A_42, %eq3A_43 : vector<4096x3xi32>
    %jit3A_45 = arith.constant 0 : i32
    %broadcast_in_dim3A_46 = vector.broadcast %jit3A_45 : i32 to vector<4096x3xi32>
    %select_n3A_47 = arith.select %eq3A_44, %convert_element_type3A, %broadcast_in_dim3A_46 : vector<4096x3xi1>, vector<4096x3xi32>
    %reduce_sum3A_48 = arith.constant dense<0> : vector<4096xi32>
    %reduce_sum3A_49 = vector.multi_reduction <add>, %select_n3A_47, %reduce_sum3A_48 [1] : vector<4096x3xi32> to vector<4096xi32>
    %swap3A = arith.constant 0 : index
    %swap3A_50 = vector.load %arg4[%swap3A] : memref<4096xi32, #tpu.memory_space<vmem>>, vector<4096xi32>
    tpu.vector_store %arg4[%swap3A], %reduce_sum3A_49 {strides = array<i32>} : memref<4096xi32, #tpu.memory_space<vmem>>, vector<4096xi32>,
    %eq3A_51 = arith.constant 1 : i32
    %eq3A_52 = vector.broadcast %eq3A_51 : i32 to vector<4096x3xi32>
    %eq3A_53 = arith.cmpi eq, %iota3A_42, %eq3A_52 : vector<4096x3xi32>
    %jit3A_54 = arith.constant 0 : i32
    %broadcast_in_dim3A_55 = vector.broadcast %jit3A_54 : i32 to vector<4096x3xi32>
    %select_n3A_56 = arith.select %eq3A_53, %convert_element_type3A, %broadcast_in_dim3A_55 : vector<4096x3xi1>, vector<4096x3xi32>
    %reduce_sum3A_57 = arith.constant dense<0> : vector<4096xi32>
    %reduce_sum3A_58 = vector.multi_reduction <add>, %select_n3A_56, %reduce_sum3A_57 [1] : vector<4096x3xi32> to vector<4096xi32>
    %swap3A_59 = arith.constant 0 : index
    %swap3A_60 = vector.load %arg5[%swap3A_59] : memref<4096xi32, #tpu.memory_space<vmem>>, vector<4096xi32>
    tpu.vector_store %arg5[%swap3A_59], %reduce_sum3A_58 {strides = array<i32>} : memref<4096xi32, #tpu.memory_space<vmem>>, vector<4096xi32>,
    %eq3A_61 = arith.constant 2 : i32
    %eq3A_62 = vector.broadcast %eq3A_61 : i32 to vector<4096x3xi32>
    %eq3A_63 = arith.cmpi eq, %iota3A_42, %eq3A_62 : vector<4096x3xi32>
    %jit3A_64 = arith.constant 0 : i32
    %broadcast_in_dim3A_65 = vector.broadcast %jit3A_64 : i32 to vector<4096x3xi32>
    %select_n3A_66 = arith.select %eq3A_63, %convert_element_type3A, %broadcast_in_dim3A_65 : vector<4096x3xi1>, vector<4096x3xi32>
    %reduce_sum3A_67 = arith.constant dense<0> : vector<4096xi32>
    %reduce_sum3A_68 = vector.multi_reduction <add>, %select_n3A_66, %reduce_sum3A_67 [1] : vector<4096x3xi32> to vector<4096xi32>
    %swap3A_69 = arith.constant 0 : index
    %swap3A_70 = vector.load %arg6[%swap3A_69] : memref<4096xi32, #tpu.memory_space<vmem>>, vector<4096xi32>
    tpu.vector_store %arg6[%swap3A_69], %reduce_sum3A_68 {strides = array<i32>} : memref<4096xi32, #tpu.memory_space<vmem>>, vector<4096xi32>,
    %mul3A_71 = arith.mulf %exp3A, %reduce_sum3A_34 : vector<4096xf32>
    %swap3A_72 = arith.constant 0 : index
    %swap3A_73 = vector.load %arg7[%swap3A_72] : memref<4096xf32, #tpu.memory_space<vmem>>, vector<4096xf32>
    tpu.vector_store %arg7[%swap3A_72], %mul3A_71 {strides = array<i32>} : memref<4096xf32, #tpu.memory_space<vmem>>, vector<4096xf32>,
    %mul3A_74 = arith.mulf %exp3A, %reduce_sum3A_41 : vector<4096xf32>
    %swap3A_75 = arith.constant 0 : index
    %swap3A_76 = vector.load %arg8[%swap3A_75] : memref<4096xf32, #tpu.memory_space<vmem>>, vector<4096xf32>
    tpu.vector_store %arg8[%swap3A_75], %mul3A_74 {strides = array<i32>} : memref<4096xf32, #tpu.memory_space<vmem>>, vector<4096xf32>,
    return
  }
}

module attributes {stable_mosaic.version = 14 : i64} {
  func.func @_expand_body(%arg0: i32, %arg1: i32, %arg2: memref<1x8x64x64xf32, #tpu.memory_space<vmem>>, %arg3: memref<1x8x64x64xf32, #tpu.memory_space<vmem>>, %arg4: memref<1x8x64x64xf32, #tpu.memory_space<vmem>>, %arg5: memref<64x1024xf32, #tpu.memory_space<vmem>>, %arg6: memref<64x1024xf32, #tpu.memory_space<vmem>>, %arg7: memref<64x1024xf32, #tpu.memory_space<vmem>>, %arg8: memref<1x1024xf32, #tpu.memory_space<vmem>>, %arg9: memref<1x8x64x1024xf32, #tpu.memory_space<vmem>>) attributes {dimension_semantics = [#tpu.dimension_semantics<arbitrary>, #tpu.dimension_semantics<arbitrary>], iteration_bounds = array<i64: 4, 8>, scalar_prefetch = 0 : i64, scratch_operands = 0 : i64, tpu.core_type = #tpu.core_type<tc>, window_params = [{transform_indices = @transform_0, window_bounds = array<i64: 1, 8, 64, 64>}, {transform_indices = @transform_1, window_bounds = array<i64: 1, 8, 64, 64>}, {transform_indices = @transform_2, window_bounds = array<i64: 1, 8, 64, 64>}, {pipeline_mode = #tpu.pipeline_mode<synchronous>, transform_indices = @transform_3, window_bounds = array<i64: 64, 1024>}, {pipeline_mode = #tpu.pipeline_mode<synchronous>, transform_indices = @transform_4, window_bounds = array<i64: 64, 1024>}, {pipeline_mode = #tpu.pipeline_mode<synchronous>, transform_indices = @transform_5, window_bounds = array<i64: 64, 1024>}, {pipeline_mode = #tpu.pipeline_mode<synchronous>, transform_indices = @transform_6, window_bounds = array<i64: 1, 1024>}, {transform_indices = @transform_7, window_bounds = array<i64: 1, 8, 64, 1024>}]} {
    %get3A = arith.constant 0 : index
    %get3A_0 = arith.constant 0 : index
    %get3A_1 = arith.constant 0 : index
    %get3A_2 = arith.constant 0 : index
    %get3A_3 = vector.load %arg2[%get3A, %get3A_0, %get3A_1, %get3A_2] : memref<1x8x64x64xf32, #tpu.memory_space<vmem>>, vector<1x8x64x64xf32>
    %reshape3A = vector.shape_cast %get3A_3 : vector<1x8x64x64xf32> to vector<512x64xf32>
    %get3A_4 = arith.constant 0 : index
    %get3A_5 = arith.constant 0 : index
    %get3A_6 = arith.constant 0 : index
    %get3A_7 = arith.constant 0 : index
    %get3A_8 = vector.load %arg3[%get3A_4, %get3A_5, %get3A_6, %get3A_7] : memref<1x8x64x64xf32, #tpu.memory_space<vmem>>, vector<1x8x64x64xf32>
    %reshape3A_9 = vector.shape_cast %get3A_8 : vector<1x8x64x64xf32> to vector<512x64xf32>
    %get3A_10 = arith.constant 0 : index
    %get3A_11 = arith.constant 0 : index
    %get3A_12 = arith.constant 0 : index
    %get3A_13 = arith.constant 0 : index
    %get3A_14 = vector.load %arg4[%get3A_10, %get3A_11, %get3A_12, %get3A_13] : memref<1x8x64x64xf32, #tpu.memory_space<vmem>>, vector<1x8x64x64xf32>
    %reshape3A_15 = vector.shape_cast %get3A_14 : vector<1x8x64x64xf32> to vector<512x64xf32>
    %get3A_16 = arith.constant 0 : index
    %get3A_17 = arith.constant 0 : index
    %get3A_18 = vector.load %arg5[%get3A_16, %get3A_17] : memref<64x1024xf32, #tpu.memory_space<vmem>>, vector<64x1024xf32>
    %dot_general3A = arith.constant dense<0.000000e+00> : vector<512x1024xf32>
    %dot_general3A_19 = tpu.matmul %reshape3A, %get3A_18, %dot_general3A {dimension_numbers = #tpu.dot_dimension_numbers<[1], [0], [0], [1], [0, 0, 1, 1], [], []>, transpose_lhs_hint = false} : vector<512x64xf32>, vector<64x1024xf32>, vector<512x1024xf32> -> vector<512x1024xf32>
    %get3A_20 = arith.constant 0 : index
    %get3A_21 = arith.constant 0 : index
    %get3A_22 = vector.load %arg6[%get3A_20, %get3A_21] : memref<64x1024xf32, #tpu.memory_space<vmem>>, vector<64x1024xf32>
    %dot_general3A_23 = arith.constant dense<0.000000e+00> : vector<512x1024xf32>
    %dot_general3A_24 = tpu.matmul %reshape3A_9, %get3A_22, %dot_general3A_23 {dimension_numbers = #tpu.dot_dimension_numbers<[1], [0], [0], [1], [0, 0, 1, 1], [], []>, transpose_lhs_hint = false} : vector<512x64xf32>, vector<64x1024xf32>, vector<512x1024xf32> -> vector<512x1024xf32>
    %add3A = arith.addf %dot_general3A_19, %dot_general3A_24 : vector<512x1024xf32>
    %get3A_25 = arith.constant 0 : index
    %get3A_26 = arith.constant 0 : index
    %get3A_27 = vector.load %arg7[%get3A_25, %get3A_26] : memref<64x1024xf32, #tpu.memory_space<vmem>>, vector<64x1024xf32>
    %dot_general3A_28 = arith.constant dense<0.000000e+00> : vector<512x1024xf32>
    %dot_general3A_29 = tpu.matmul %reshape3A_15, %get3A_27, %dot_general3A_28 {dimension_numbers = #tpu.dot_dimension_numbers<[1], [0], [0], [1], [0, 0, 1, 1], [], []>, transpose_lhs_hint = false} : vector<512x64xf32>, vector<64x1024xf32>, vector<512x1024xf32> -> vector<512x1024xf32>
    %add3A_30 = arith.addf %add3A, %dot_general3A_29 : vector<512x1024xf32>
    %get3A_31 = arith.constant 0 : index
    %get3A_32 = arith.constant 0 : index
    %get3A_33 = vector.load %arg8[%get3A_31, %get3A_32] : memref<1x1024xf32, #tpu.memory_space<vmem>>, vector<1x1024xf32>
    %add3A_34 = vector.broadcast %get3A_33 : vector<1x1024xf32> to vector<512x1024xf32>
    %add3A_35 = arith.addf %add3A_30, %add3A_34 : vector<512x1024xf32>
    %reshape3A_36 = vector.shape_cast %add3A_35 : vector<512x1024xf32> to vector<1x8x64x1024xf32>
    %swap3A = arith.constant 0 : index
    %swap3A_37 = arith.constant 0 : index
    %swap3A_38 = arith.constant 0 : index
    %swap3A_39 = arith.constant 0 : index
    %swap3A_40 = vector.load %arg9[%swap3A, %swap3A_37, %swap3A_38, %swap3A_39] : memref<1x8x64x1024xf32, #tpu.memory_space<vmem>>, vector<1x8x64x1024xf32>
    tpu.vector_store %arg9[%swap3A, %swap3A_37, %swap3A_38, %swap3A_39], %reshape3A_36 {strides = array<i32>} : memref<1x8x64x1024xf32, #tpu.memory_space<vmem>>, vector<1x8x64x1024xf32>,
    return
  }
  func.func @transform_0(%arg0: i32, %arg1: i32) -> (i32, i32, i32, i32) {
    %c0_i32 = arith.constant 0 : i32
    %c0_i32_0 = arith.constant 0 : i32
    %c0_i32_1 = arith.constant 0 : i32
    return %arg0, %arg1, %c0_i32, %c0_i32_0 : i32, i32, i32, i32
  }
  func.func @transform_1(%arg0: i32, %arg1: i32) -> (i32, i32, i32, i32) {
    %c0_i32 = arith.constant 0 : i32
    %c0_i32_0 = arith.constant 0 : i32
    %c0_i32_1 = arith.constant 0 : i32
    return %arg0, %arg1, %c0_i32, %c0_i32_0 : i32, i32, i32, i32
  }
  func.func @transform_2(%arg0: i32, %arg1: i32) -> (i32, i32, i32, i32) {
    %c0_i32 = arith.constant 0 : i32
    %c0_i32_0 = arith.constant 0 : i32
    %c0_i32_1 = arith.constant 0 : i32
    return %arg0, %arg1, %c0_i32, %c0_i32_0 : i32, i32, i32, i32
  }
  func.func @transform_3(%arg0: i32, %arg1: i32) -> (i32, i32) {
    %c0_i32 = arith.constant 0 : i32
    %c0_i32_0 = arith.constant 0 : i32
    %c0_i32_1 = arith.constant 0 : i32
    return %c0_i32, %c0_i32_0 : i32, i32
  }
  func.func @transform_4(%arg0: i32, %arg1: i32) -> (i32, i32) {
    %c0_i32 = arith.constant 0 : i32
    %c0_i32_0 = arith.constant 0 : i32
    %c0_i32_1 = arith.constant 0 : i32
    return %c0_i32, %c0_i32_0 : i32, i32
  }
  func.func @transform_5(%arg0: i32, %arg1: i32) -> (i32, i32) {
    %c0_i32 = arith.constant 0 : i32
    %c0_i32_0 = arith.constant 0 : i32
    %c0_i32_1 = arith.constant 0 : i32
    return %c0_i32, %c0_i32_0 : i32, i32
  }
  func.func @transform_6(%arg0: i32, %arg1: i32) -> (i32, i32) {
    %c0_i32 = arith.constant 0 : i32
    %c0_i32_0 = arith.constant 0 : i32
    %c0_i32_1 = arith.constant 0 : i32
    return %c0_i32, %c0_i32_0 : i32, i32
  }
  func.func @transform_7(%arg0: i32, %arg1: i32) -> (i32, i32, i32, i32) {
    %c0_i32 = arith.constant 0 : i32
    %c0_i32_0 = arith.constant 0 : i32
    %c0_i32_1 = arith.constant 0 : i32
    return %arg0, %arg1, %c0_i32, %c0_i32_0 : i32, i32, i32, i32
  }
}

</mosaic_0001>

<sc_bundles>
// kernel: kernel.5.cloned.1.call-start
scs
__scs_entry_jumppad:
0x0: {  	(pc) =	sbr.rel $0x88, $3  }
0x1: {  	(tag) =	ssettag $0x0;
	lr =	simm.s32 $0x1  }
0x2: {  	[smem:$0x3F9B] =	sst lr;
	_ =	strace $0xD0000000  }
0x3: {  	_ = 	snop  }
0x4: {  	_ = 	snop  }
0x5: {  	_ = 	snop  }
0x6: {  	_ = 	snop  }
0x7: {  	_ = 	snop  }
__scs_overlays_trampoline_lowered:
0x8: {  	[smem:$0x3FAA] =	sst s0  }
0x9: {  	[smem:$0x3FAB] =	sst s1  }
0xa: {  	[smem:$0x3FAC] =	sst s2  }
0xb: {  	[smem:$0x3FAD] =	sst s3  }
0xc: {  	[smem:$0x3FAE] =	sst s4  }
0xd: {  	[smem:$0x3FAF] =	sst s5  }
0xe: {  	[smem:$0x3FB0] =	sst s6  }
0xf: {  	[smem:$0x3FB1] =	sst s7  }
0x10: {  	[smem:$0x3FB2] =	sst s8  }
0x11: {  	[smem:$0x3FB3] =	sst s9;
	s0 =	simm.s32 @!p0 $0x0  }
0x12: {  	s1 =	sld [smem:$0x3F99];
	s0 =	simm.s32 @p0 $0x1  }
0x13: {  	[smem:$0x3FB4] =	sst s0;
	s0 =	simm.s32 @!p1 $0x0  }
0x14: {  	s2 =	sld [smem:$0x3F98];
	s0 =	simm.s32 @p1 $0x1  }
0x15: {  	[smem:$0x3FB5] =	sst s0;
	s0 =	simm.s32 @!p2 $0x0  }
0x16: {  	s3 =	sld [smem:$0x3FDB];
	s0 =	simm.s32 @p2 $0x1  }
0x17: {  	s4 =	simm.s32 $0x1BF5;
	[smem:$0x3FB7] =	sst s0  }
0x18: {  	s0 =	sld [smem:$0x3F9A];
	_ =	swait.ge [sflag:s4], $0x0  }
0x19: {  	s7 =	sld [smem:$0x3F9B]  }
0x1a: {  	s8 =	sadd.s32 $0xFFFFE003, lr  }
0x1b: {  	s9 =	sadd.s32 $0xFFFFFEF7, lr;
	s5 =	simm.s32 $0xFFFFFFFF;
	p2 =	slt.u32 s8, $0xFFFFF086  }
0x1c: {  	p1 =	slt.u32 s9, $0xF7A;
	s5 =	simm.s32 @!p2 $0x0  }
0x1d: {  	s5 =	simm.s32 @p1 $0x1;
	p0 =	seq.s32 s7, s2  }
0x1e: {  	s7 =	smul.u32 @!p0 $0xF7A, s2;
	p2 =	seq.s32 @!p0 s5, $0x0  }
0x1f: {  	s9 =	smul.u32 $0xF7A, s1;
	s8 =	simm.s32 @!p0 $0x1BF5;
	p2 =	por !p2, p0  }
0x20: {  	[sflag:s8] =	ssyncset.s32 @!p0 $0xFFFFF086;
	s6 =	sadd.s32 @!p0 s3, s7;
	s7 =	simm.s32 @!p0 $0x108  }
0x21: {  	s3 =	sadd.s32 s3, s9;
	s6 =	sadd.s32 @!p0 $0x88, s6;
	s7 =	simm.s32 @p2 $0x1082  }
0x22: {  	[simem:s7], [sflag:s8] =	dma.local @!p0 [hbm:s6], $0xF7A  }
0x23: {  	s9 =	sor.u32 $0xD0000000, s2;
	s6 =	simm.s32 $0x108;
	_ =	swait.ge @!p0 [sflag:s8], $0x0  }
0x24: {  	s3 =	sadd.s32 $0x88, s3;
	s6 =	simm.s32 @!p1 $0x1082;
	[sflag:s4] =	ssyncset.s32 $0xFFFFF086  }
0x25: {  	[simem:s6], [sflag:s4] =	dma.local [hbm:s3], $0xF7A  }
0x26: {  	[smem:$0x3F9B] =	sst s1;
	(tag) =	ssettag s2;
	_ =	strace s9  }
0x27: {  	s1 =	sld [smem:$0x3FAB]  }
0x28: {  	s2 =	sld [smem:$0x3FAC]  }
0x29: {  	s4 =	sld [smem:$0x3FAE]  }
0x2a: {  	p0 =	seq.s32 s5, $0x0;
	s5 =	sld [smem:$0x3FAF]  }
0x2b: {  	s6 =	sld [smem:$0x3FB0]  }
0x2c: {  	s7 =	sld [smem:$0x3FB1]  }
0x2d: {  	s3 =	simm.s32 $0x108;
	s8 =	sld [smem:$0x3FB2]  }
0x2e: {  	s3 =	simm.s32 @!p0 $0x1082;
	s9 =	sld [smem:$0x3FB3]  }
0x2f: {  	lr =	sadd.s32 s0, s3;
	s0 =	sld [smem:$0x3FAA]  }
0x30: {  	s3 =	sld [smem:$0x3FAD]  }
0x31: {  	[smem:$0x3FB6] =	sst s10  }
0x32: {  	s10 =	sld [smem:$0x3FB4];
	_ =	sdelay $0x3  }
0x33: {  	p0 =	seq.s32 s10, $0x1;
	s10 =	sld [smem:$0x3FB6];
	_ =	sdelay $0x3  }
0x34: {  	[smem:$0x3FB6] =	sst s10  }
0x35: {  	s10 =	sld [smem:$0x3FB5];
	_ =	sdelay $0x3  }
0x36: {  	p1 =	seq.s32 s10, $0x1;
	s10 =	sld [smem:$0x3FB6];
	_ =	sdelay $0x3  }
0x37: {  	[smem:$0x3FB6] =	sst s10  }
0x38: {  	s10 =	sld [smem:$0x3FB7]  }
0x39: {  	_ = 	snop;
	(pc) =	sbr.ind lr, $3  }
0x3a: {  	_ = 	snop  }
0x3b: {  	_ = 	snop  }
0x3c: {  	p2 =	seq.s32 s10, $0x1;
	s10 =	sld [smem:$0x3FB6]  }
0x3d: {  	_ =	shalt  }
0x3e: {  	_ =	shalt  }
0x3f: {  	_ =	shalt  }
0x40: {  	_ =	shalt  }
0x41: {  	_ =	shalt  }
0x42: {  	_ =	shalt  }
0x43: {  	_ =	shalt  }
0x44: {  	_ =	shalt  }
0x45: {  	_ =	shalt  }
0x46: {  	_ =	shalt  }
0x47: {  	_ =	shalt  }
0x48: {  	_ =	shalt  }
0x49: {  	_ =	shalt  }
0x4a: {  	_ =	shalt  }
0x4b: {  	_ =	shalt  }
0x4c: {  	_ =	shalt  }
0x4d: {  	_ =	shalt  }
0x4e: {  	_ =	shalt  }
0x4f: {  	_ =	shalt  }
0x50: {  	_ =	shalt  }
0x51: {  	_ =	shalt  }
0x52: {  	_ =	shalt  }
0x53: {  	_ =	shalt  }
0x54: {  	_ =	shalt  }
0x55: {  	_ =	shalt  }
0x56: {  	_ =	shalt  }
0x57: {  	_ =	shalt  }
0x58: {  	_ =	shalt  }
0x59: {  	_ =	shalt  }
0x5a: {  	_ =	shalt  }
0x5b: {  	_ =	shalt  }
0x5c: {  	_ =	shalt  }
0x5d: {  	_ =	shalt  }
0x5e: {  	_ =	shalt  }
0x5f: {  	_ =	shalt  }
0x60: {  	_ =	shalt  }
0x61: {  	_ =	shalt  }
0x62: {  	_ =	shalt  }
0x63: {  	_ =	shalt  }
0x64: {  	_ =	shalt  }
0x65: {  	_ =	shalt  }
0x66: {  	_ =	shalt  }
0x67: {  	_ =	shalt  }
0x68: {  	_ =	shalt  }
0x69: {  	_ =	shalt  }
0x6a: {  	_ =	shalt  }
0x6b: {  	_ =	shalt  }
0x6c: {  	_ =	shalt  }
0x6d: {  	_ =	shalt  }
0x6e: {  	_ =	shalt  }
0x6f: {  	_ =	shalt  }
0x70: {  	_ =	shalt  }
0x71: {  	_ =	shalt  }
0x72: {  	_ =	shalt  }
0x73: {  	_ =	shalt  }
0x74: {  	_ =	shalt  }
0x75: {  	_ =	shalt  }
0x76: {  	_ =	shalt  }
0x77: {  	_ =	shalt  }
0x78: {  	_ =	shalt  }
0x79: {  	_ =	shalt  }
0x7a: {  	_ =	shalt  }
0x7b: {  	_ =	shalt  }
0x7c: {  	_ =	shalt  }
0x7d: {  	_ =	shalt  }
0x7e: {  	_ =	shalt  }
0x7f: {  	_ =	shalt  }
0x80: {  	_ =	shalt  }
0x81: {  	_ =	shalt  }
0x82: {  	_ =	shalt  }
0x83: {  	_ =	shalt  }
0x84: {  	_ =	shalt  }
0x85: {  	_ =	shalt  }
0x86: {  	_ =	shalt  }
0x87: {  	_ =	shalt  }
.Lfunc_end0:
.L_simem_size_0:
called_computation_lowered:
.L_overlay_start_0:
0x88: {  	s2 =	sld [smem:$0x3FD9]  }
0x89: {  	s3 =	sld [smem:$0x3FFE];
	_ =	sdelay $0x1  }
0x8a: {  	s1 =	srdreg.scid  }
0x8b: {  	s0 =	sand.u32 $0x1, s1  }
0x8c: {  	s17 =	sshll.u32 s0, $0xA;
	s2 =	sadd.s32 s3, s2  }
0x8d: {  	s2 =	sadd.s32 s2, s17  }
0x8e: {  	[smem:$0x3FC2] =	sst s2  }
0x8f: {  	_ = 	snop  }
0x90: {  	s2 =	sld [smem:$0x3FD0];
	(tm) =	ssettm $0x1  }
0x91: {  	s18 =	sld [smem:$0x3FFB];
	_ =	sdelay $0x3  }
0x92: {  	_ =	strace s18  }
0x93: {  	s3 =	sld [smem:$0x3FFC];
	_ =	sdelay $0x3  }
0x94: {  	_ =	strace s3  }
0x95: {  	s3 =	sld [smem:$0x3FFD];
	_ =	sdelay $0x3  }
0x96: {  	_ =	strace s3  }
0x97: {  	_ =	strace $0x8FFFFFFF  }
0x98: {  	s19 =	sld [smem:$0x3FDB];
	_ =	sdelay $0x1  }
0x99: {  	s4 =	simm.s32 $_scs_section_size  }
0x9a: {  	s5 =	simm.s32 $_size__tile_overlayer_lowered;
	s6 =	simm.s32 $_tile_overlayer_lowered  }
0x9b: {  	s22 =	simm.s32 $0x1BFF;
	s21 =	sshll.u32 s6, $0x1;
	s3 =	sadd.s32 s4, s19  }
0x9c: {  	s7 =	simm.s32 $0x0;
	s20 =	sshll.u32 s5, $0x1;
	s5 =	sadd.s32 s21, s3  }
0x9d: {  	[timem:s7], [sflag:s22] =	dma.local [hbm:s5], s20  }
0x9e: {  	_ =	swait.ge [sflag:s22], s20  }
0x9f: {  	s4 =	ssub.s32 $0x0, s20;
	[sflag:s22] =	ssyncset.done $0x0  }
0xa0: {  	[sflag:s22] =	ssyncadd.s32 s4;
	_ =	sdelay $0x1  }
0xa1: {  	s23 =	simm.s32 $0x1B8B  }
0xa2: {  	_ =	swait.ge [sflag:s23], $0x1  }
0xa3: {  	[sflag:s23] =	ssyncset.done $0x0  }
0xa4: {  	s25 =	simm.s32 $0x1B8E;
	s24 =	sld [smem:$0x3FFE];
	[sflag:s23] =	ssyncadd.s32 $0xFFFFFFFF  }
0xa5: {  	s26 =	simm.s32 $execute0_lowered;
	[smem:$0x3FD2] =	sst s25  }
0xa6: {  	s5 =	sshll.u32 s26, $0x1;
	_ =	strace $0x80000046;
	[dreg:$0x1] =	wrdreg $0xFFFFFFFF  }
0xa7: {  	s28 =	simm.s32 $_size_execute0_lowered;
	s3 =	sadd.s32 s3, s5;
	[dreg:$0x0] =	wrdreg $0x0  }
0xa8: {  	s5 =	sshll.u32 s28, $0x1;
	[dreg:$0x2] =	wrdreg s3  }
0xa9: {  	[dreg:$0x3] =	wrdreg s5  }
0xaa: {  	[dreg:$0x4] =	wrdreg $0xC0  }
0xab: {  	_ =	task [dreg:s7], $0x5FFFF  }
0xac: {  	[dreg:$0x1] =	wrdreg $0xFFFFFFFF  }
0xad: {  	[dreg:$0x0] =	wrdreg $0x60  }
0xae: {  	[dreg:$0x2] =	wrdreg s24  }
0xaf: {  	[dreg:$0x3] =	wrdreg s2  }
0xb0: {  	[dreg:$0x4] =	wrdreg $0x9  }
0xb1: {  	_ =	task.clear_ibuf [dreg:s7], $0x5FFFF;
	_ =	strace $0x90000046  }
0xb2: {  	s29 =	simm.s32 $0x9;
	_ =	strace $0x80000048  }
0xb3: {  	_ =	swait.ge [sflag:s29], $0x1  }
0xb4: {  	[sflag:s29] =	ssyncadd.s32 $0xFFFFFFFF  }
0xb5: {  	_ =	strace $0x90000048  }
0xb6: {  	_ =	sfence  }
0xb7: {  	s30 =	sld [smem:$0x0];
	_ =	sdelay $0x2  }
0xb8: {  	s31 =	sshll.u32 s1, $0xD;
	s1 =	sshrl.u32 s1, $0x2  }
0xb9: {  	s3 =	sand.u32 $0x4000, s31;
	s1 =	sadd.s32 s1, s30  }
0xba: {  	s0 =	sor.u32 s3, s0;
	s1 =	sshll.u32 s1, $0x11  }
0xbb: {  	s0 =	sor.u32 s1, s0  }
0xbc: {  	s0 =	sadd.s32 $0x8F2B, s0  }
0xbd: {  	[sflag:s0] =	ssyncadd.remote.s32 $0x1  }
0xbe: {  	_ =	sfence.sel $0xFFFF  }
0xbf: {  	[dreg:$0x0] =	wrdreg $0xFFFFFFFF;
	(pc) =	sbr.abs _section_cstart, $3  }
0xc0: {  	[dreg:$0x1] =	wrdreg $0xFFFFFFFF  }
0xc1: {  	_ =	task.clear_ibuf [dreg:s7], $0x2FFFF;
	_ =	strace $0x9FFFFFFF  }
0xc2: {  	(tm) =	ssettm $0x7FFFFFFF  }
0xc3: {  	_ =	shalt  }
tec
execute0_lowered:
.L_overlay_start_1:
0x0: {  	(tag) =	ssettag $0x1  }
0x1: {  	s3 =	rddreg [dreg:$0x0]  }
0x2: {  	s8 =	rddreg [dreg:$0x1];
	s2 =	srdreg.scid  }
0x3: {  	s1 =	stileid.u32;
	s0 =	rddreg [dreg:$0x2];
	s13 =	simm.s32 $0x400  }
0x4: {  	s14 =	simm.s32 $0x800;
	s15 =	simm.s32 $0xC00;
	s17 =	simm.s32 $0x1400  }
0x5: {  	s18 =	simm.s32 $0x9400;
	s19 =	simm.s32 $0x11400;
	s20 =	simm.s32 $0x80  }
0x6: {  	s21 =	simm.s32 $0x200;
	s4 =	sand.u32 $0x1, s2;
	s29 =	sshll.u32 s1, $0x4  }
0x7: {  	s7 =	sand.u32 $0x7, s1;
	s2 =	simm.s32 $0x0;
	s5 =	sshll.u32 s4, $0x8  }
0x8: {  	s6 =	sand.u32 $0x80, s29;
	s30 =	sshll.u32 s7, $0x11;
	[smem:$0x7FF] =	sst s2  }
0x9: {  	s4 =	ssub.s32 $0x2, s4;
	s16 =	sshll.u32 s7, $0x3;
	s5 =	sor.u32 s6, s5  }
0xa: {  	_ =	strace $0x80000047;
	s31 =	sshrl.u32 s4, $0x1;
	v0 =	vmov s16;
	s16 =	simm.s32 $0x1000  }
0xb: {  	s6 =	sor.u32 s30, s5;
	s10 =	sadd.s32 s5, s3;
	s12 =	ssub.s32 s4, s31  }
0xc: {  	s9 =	sshrl.u32 s6, $0x3;
	s4 =	sadd.s32 $0x1400, s10;
	s5 =	sadd.s32 $0x1600, s10  }
0xd: {  	s6 =	sadd.s32 $0x1800, s10;
	s7 =	sadd.s32 $0x1A00, s10;
	s11 =	sadd.s32 s9, s3  }
0xe: {  	s3 =	sadd.s32 $0x1200, s10;
	s8 =	sadd.s32 s8, s9;
	s9 =	sadd.s32 $0x1C00, s11  }
0xf: {  	v1 =	vimm.f32 $0.0e+00;
	v2 =	vimm.f32 $1.600000000e+01;
	v3 =	vimm.f32 $1.300000000e+01;
	s10 =	sadd.s32 $0x21C00, s11;
	s11 =	smax.u32 s12, $0x1;
	s12 =	simm.s32 $0x1  }
.LBB2_1:
0x10: {  	s22 =	simm.s32 $0x40;
	s23 =	simm.s32 $0x0  }
.LBB2_2:
0x11: {  	p0 =	sne.s32 s22, $0x1FFC0;
	[tilespmem:s23+$0x11400] =	vst v1;
	s24 =	smov.u32 s22;
	s22 =	sadd.s32 $0x40, s22  }
.Ltmp0:
0x12: {  	[tilespmem:s23+$0x1400] =	vst v1;
	(pc) =	sbr.rel @p0 .LBB2_2-.Ltmp0, $2  }
0x13: {  	[tilespmem:s23+$0x9400] =	vst v1;
	_ =	sdelay $0x2  }
0x14: {  	s23 =	sshra.s32 s24, $0x2  }
0x15: {  	[tilespmem:s23+$0x11400] =	vst v1  }
0x16: {  	[tilespmem:s23+$0x1400] =	vst v1  }
0x17: {  	[tilespmem:s23+$0x9400] =	vst v1;
	s22 =	simm.s32 $0x0  }
0x18: {  	[tilespmem:s22], [sflag:$0x1] =	stream.linear.gather [hbm4b:s3+s22], $0x400, $0x38;
	[tilespmem:$0x19400] =	vst v63  }
0x19: {  	_ =	swait.ge [sflag:s12], $0x400  }
0x1a: {  	[sflag:s12] =	ssyncset.done $0x0  }
0x1b: {  	[sflag:s12] =	ssyncadd.s32 $0xFFFFFC00  }
0x1c: {  	[tilespmem:s13], [sflag:$0x1] =	stream.linear.gather [hbm4b:s4+s22], $0x400, $0x38;
	[tilespmem:$0x19400] =	vst v63  }
0x1d: {  	_ =	swait.ge [sflag:s12], $0x400  }
0x1e: {  	[sflag:s12] =	ssyncset.done $0x0  }
0x1f: {  	[sflag:s12] =	ssyncadd.s32 $0xFFFFFC00  }
0x20: {  	[tilespmem:s14], [sflag:$0x1] =	stream.linear.gather [hbm4b:s5+s22], $0x400, $0x38;
	[tilespmem:$0x19400] =	vst v63  }
0x21: {  	_ =	swait.ge [sflag:s12], $0x400  }
0x22: {  	[sflag:s12] =	ssyncset.done $0x0  }
0x23: {  	[sflag:s12] =	ssyncadd.s32 $0xFFFFFC00  }
0x24: {  	[tilespmem:s15], [sflag:$0x1] =	stream.linear.gather [hbm4b:s6+s22], $0x400, $0x38;
	[tilespmem:$0x19400] =	vst v63  }
0x25: {  	_ =	swait.ge [sflag:s12], $0x400  }
0x26: {  	[sflag:s12] =	ssyncset.done $0x0  }
0x27: {  	[sflag:s12] =	ssyncadd.s32 $0xFFFFFC00  }
0x28: {  	[tilespmem:s16], [sflag:$0x1] =	stream.linear.gather [hbm4b:s7+s22], $0x400, $0x38;
	[tilespmem:$0x19400] =	vst v63  }
0x29: {  	_ =	swait.ge [sflag:s12], $0x400  }
0x2a: {  	[sflag:s12] =	ssyncset.done $0x0  }
0x2b: {  	s22 =	simm.s32 $0x0;
	[sflag:s12] =	ssyncadd.s32 $0xFFFFFC00  }
0x2c: {  	v9 =	vld [tilespmem:s22+$0x800]  }
0x2d: {  	v6 =	vld [tilespmem:s22+$0x0]  }
0x2e: {  	v4 =	vld [tilespmem:s22+$0x400];
	_ =	sdelay $0x2  }
0x2f: {  	s23 =	simm.s32 $0x40;
	v8 =	vadd.s32 $0xFFFFFFFE, v9;
	v7 =	vadd.s32 $0xFFFFFFFF, v9;
	v5 =	vadd.s32 $0x1, v9  }
.LBB2_4:
0x30: {  	p0 =	sne.s32 s23, $0xFC0;
	v10 =	vadd.s32 $0xFFFFFFFE, v6;
	vm0 =	vgt.s32 v9, $0x0;
	v11 =	vadd.s32 $0x2, v9;
	s24 =	smov.u32 s23;
	s23 =	sadd.s32 $0x40, s23  }
0x31: {  	vm1 =	vgt.s32 v10, $0x0;
	v12 =	vadd.s32 $0xFFFFFFFE, v4;
	v9 =	vnsel vm0, $0x0, v9  }
0x32: {  	v10 =	vnsel vm1, $0x0, v10;
	vm0 =	vgt.s32 v12, $0x0;
	v9 =	vmin.u32 v9, $0x3F  }
0x33: {  	vm1 =	vgt.s32 v7, $0x0;
	v10 =	vmin.u32 v10, $0x3F;
	v12 =	vnsel vm0, $0x0, v12  }
0x34: {  	vm2 =	vgt.s32 v8, $0x0;
	vm3 =	vgt.s32 v5, $0x0;
	v10 =	vsub.s32 v10, v0  }
0x35: {  	v8 =	vnsel vm2, $0x0, v8;
	vm0 =	vlt.u32 v10, $0x8;
	v10 =	vshll.u32 v10, $0xC  }
0x36: {  	vm4 =	vgt.s32 v6, $0x0;
	s24 =	sshra.s32 s24, $0x2;
	vm2 =	vgt.s32 v11, $0x0;
	vm5 =	vgt.s32 v4, $0x0  }
0x37: {  	v13 =	vadd.s32 $0xFFFFFFFF, v6;
	v6 =	vnsel vm4, $0x0, v6;
	v7 =	vnsel vm1, $0x0, v7  }
0x38: {  	v8 =	vmin.u32 v8, $0x3F;
	vm1 =	vgt.s32 v13, $0x0;
	v7 =	vmin.u32 v7, $0x3F  }
0x39: {  	v11 =	vnsel vm2, $0x0, v11;
	v13 =	vnsel vm1, $0x0, v13;
	v12 =	vmin.u32 v12, $0x3F  }
0x3a: {  	v4 =	vnsel vm5, $0x0, v4;
	v13 =	vmin.u32 v13, $0x3F;
	v12 =	vshll.u32 v12, $0x6  }
0x3b: {  	v5 =	vnsel vm3, $0x0, v5;
	v13 =	vsub.s32 v13, v0;
	v10 =	vor.u32 v12, v10  }
0x3c: {  	v5 =	vmin.u32 v5, $0x3F;
	v14 =	vor.u32 v8, v10;
	v15 =	vshll.u32 v13, $0xC  }
0x3d: {  	v16 =	vor.u32 v7, v10;
	v17 =	vor.u32 v9, v10;
	v5 =	vor.u32 v5, v10  }
0x3e: {  	v11 =	vmin.u32 v11, $0x3F;
	vm1 =	vlt.u32 v13, $0x8;
	v12 =	vor.u32 v12, v15  }
0x3f: {  	v8 =	vor.u32 v8, v12;
	v7 =	vor.u32 v7, v12;
	v12 =	vor.u32 v9, v12;
	v13 =	vld [tilespmem:s22+$0x1000]  }
0x40: {  	v6 =	vmin.u32 v6, $0x3F;
	v4 =	vmin.u32 v4, $0x3F;
	v10 =	vor.u32 v11, v10;
	v15 =	vld [tilespmem:s22+$0xC00];
	s22 =	smov.u32 s24  }
0x41: {  	v6 =	vsub.s32 v6, v0;
	v4 =	vshll.u32 v4, $0x6;
	[tilespmem:v14+s17+$0x0] =	vst.idx.add.f32.msk vm0, v2  }
0x42: {  	v11 =	vshll.u32 v6, $0xC;
	v14 =	vand.u32 $0xF80, v4;
	v4 =	vand.u32 $0x40, v4;
	[tilespmem:v16+s17+$0x0] =	vst.idx.add.f32.msk vm0, v2  }
0x43: {  	vm2 =	vlt.u32 v6, $0x8;
	v6 =	vor.u32 v11, v14;
	v4 =	vor.u32 v4, v9;
	[tilespmem:v17+s17+$0x0] =	vst.idx.add.f32.msk vm0, v2  }
0x44: {  	v4 =	vor.u32 v4, v6;
	[tilespmem:v5+s17+$0x0] =	vst.idx.add.f32.msk vm0, v2  }
0x45: {  	[tilespmem:v10+s17+$0x0] =	vst.idx.add.f32.msk vm0, v2  }
0x46: {  	[tilespmem:v8+s17+$0x0] =	vst.idx.add.f32.msk vm1, v2  }
0x47: {  	[tilespmem:v7+s17+$0x0] =	vst.idx.add.f32.msk vm1, v2  }
0x48: {  	[tilespmem:v12+s17+$0x0] =	vst.idx.add.f32.msk vm1, v3  }
0x49: {  	[tilespmem:v4+s18+$0x0] =	vst.idx.add.f32.msk vm2, v15  }
0x4a: {  	[tilespmem:v4+s19+$0x0] =	vst.idx.add.f32.msk vm2, v13  }
0x4b: {  	v9 =	vld [tilespmem:s22+$0x800]  }
.Ltmp1:
0x4c: {  	v6 =	vld [tilespmem:s22+$0x0];
	(pc) =	sbr.rel @p0 .LBB2_4-.Ltmp1, $2  }
0x4d: {  	v4 =	vld [tilespmem:s22+$0x400];
	_ =	sdelay $0x2  }
0x4e: {  	v8 =	vadd.s32 $0xFFFFFFFE, v9;
	v7 =	vadd.s32 $0xFFFFFFFF, v9;
	v5 =	vadd.s32 $0x1, v9  }
0x4f: {  	v10 =	vadd.s32 $0xFFFFFFFE, v6;
	vm0 =	vgt.s32 v9, $0x0  }
0x50: {  	v11 =	vadd.s32 $0x2, v9;
	vm10 =	vgt.s32 v7, $0x0;
	vm2 =	vgt.s32 v8, $0x0  }
0x51: {  	vm3 =	vgt.s32 v5, $0x0;
	vm4 =	vgt.s32 v6, $0x0;
	v13 =	vadd.s32 $0xFFFFFFFF, v6  }
0x52: {  	vm1 =	vgt.s32 v10, $0x0;
	v12 =	vadd.s32 $0xFFFFFFFE, v4;
	v56 =	vnsel vm0, $0x0, v9  }
0x53: {  	v8 =	vnsel vm2, $0x0, v8;
	vm12 =	vgt.s32 v11, $0x0;
	vm5 =	vgt.s32 v4, $0x0  }
0x54: {  	v7 =	vnsel vm10, $0x0, v7;
	v57 =	vnsel vm4, $0x0, v6;
	vm13 =	vgt.s32 v13, $0x0  }
0x55: {  	v5 =	vnsel vm3, $0x0, v5;
	v10 =	vnsel vm1, $0x0, v10;
	vm9 =	vgt.s32 v12, $0x0  }
0x56: {  	v9 =	vmin.u32 v56, $0x3F;
	v8 =	vmin.u32 v8, $0x3F;
	v7 =	vmin.u32 v7, $0x3F  }
0x57: {  	v13 =	vnsel vm13, $0x0, v13;
	v10 =	vmin.u32 v10, $0x3F;
	v12 =	vnsel vm9, $0x0, v12  }
0x58: {  	v11 =	vnsel vm12, $0x0, v11;
	v10 =	vsub.s32 v10, v0;
	v12 =	vmin.u32 v12, $0x3F  }
0x59: {  	vm11 =	vlt.u32 v10, $0x8;
	v10 =	vshll.u32 v10, $0xC;
	v12 =	vshll.u32 v12, $0x6  }
0x5a: {  	v4 =	vnsel vm5, $0x0, v4;
	v5 =	vmin.u32 v5, $0x3F;
	v10 =	vor.u32 v12, v10  }
0x5b: {  	v6 =	vmin.u32 v57, $0x3F;
	v13 =	vmin.u32 v13, $0x3F;
	v14 =	vor.u32 v8, v10  }
0x5c: {  	v11 =	vmin.u32 v11, $0x3F;
	v4 =	vmin.u32 v4, $0x3F;
	v16 =	vor.u32 v7, v10  }
0x5d: {  	v6 =	vsub.s32 v6, v0;
	v13 =	vsub.s32 v13, v0;
	v17 =	vor.u32 v9, v10  }
0x5e: {  	v58 =	vld [tilespmem:s22+$0x1000];
	v4 =	vshll.u32 v4, $0x6;
	v15 =	vshll.u32 v13, $0xC;
	v5 =	vor.u32 v5, v10  }
0x5f: {  	v59 =	vld [tilespmem:s22+$0xC00];
	vm14 =	vlt.u32 v13, $0x8;
	v12 =	vor.u32 v12, v15;
	v10 =	vor.u32 v11, v10  }
0x60: {  	v61 =	vshll.u32 v6, $0xC;
	v62 =	vand.u32 $0xF80, v4;
	v8 =	vor.u32 v8, v12;
	[tilespmem:v14+s17+$0x0] =	vst.idx.add.f32.msk vm11, v2  }
0x61: {  	v4 =	vand.u32 $0x40, v4;
	v63 =	vor.u32 v61, v62;
	v7 =	vor.u32 v7, v12;
	[tilespmem:v16+s17+$0x0] =	vst.idx.add.f32.msk vm11, v2  }
0x62: {  	vm15 =	vlt.u32 v6, $0x8;
	v4 =	vor.u32 v4, v9;
	v60 =	vor.u32 v9, v12;
	[tilespmem:v17+s17+$0x0] =	vst.idx.add.f32.msk vm11, v2  }
0x63: {  	v4 =	vor.u32 v4, v63;
	[tilespmem:v5+s17+$0x0] =	vst.idx.add.f32.msk vm11, v2  }
0x64: {  	[tilespmem:v10+s17+$0x0] =	vst.idx.add.f32.msk vm11, v2  }
0x65: {  	[tilespmem:v8+s17+$0x0] =	vst.idx.add.f32.msk vm14, v2  }
0x66: {  	[tilespmem:v7+s17+$0x0] =	vst.idx.add.f32.msk vm14, v2  }
0x67: {  	[tilespmem:v60+s17+$0x0] =	vst.idx.add.f32.msk vm14, v3  }
0x68: {  	[tilespmem:v4+s18+$0x0] =	vst.idx.add.f32.msk vm15, v59  }
0x69: {  	[tilespmem:v4+s19+$0x0] =	vst.idx.add.f32.msk vm15, v58  }
0x6a: {  	[hbm4b:s8+s20] =	stream.strided.scatter [tilespmem:s17], [sflag:$0x1], $0x8000, s21, s20, $0x38;
	[tilespmem:$0x19400] =	vst v63  }
0x6b: {  	_ =	swait.ge [sflag:s12], $0x8000  }
0x6c: {  	[sflag:s12] =	ssyncset.done $0x0  }
0x6d: {  	[sflag:s12] =	ssyncadd.s32 $0xFFFF8000  }
0x6e: {  	[hbm4b:s9+s20] =	stream.strided.scatter [tilespmem:s18], [sflag:$0x1], $0x8000, s21, s20, $0x38;
	[tilespmem:$0x19400] =	vst v63  }
0x6f: {  	s2 =	sadd.s32 $0x1, s2;
	_ =	swait.ge [sflag:s12], $0x8000  }
0x70: {  	p0 =	sne.s32 s2, s11;
	[sflag:s12] =	ssyncset.done $0x0  }
.Ltmp2:
0x71: {  	[sflag:s12] =	ssyncadd.s32 $0xFFFF8000;
	(pc) =	sbr.rel @p0 .LBB2_1-.Ltmp2, $4  }
0x72: {  	[hbm4b:s10+s20] =	stream.strided.scatter [tilespmem:s19], [sflag:$0x1], $0x8000, s21, s20, $0x38;
	[tilespmem:$0x19400] =	vst v63  }
0x73: {  	_ =	swait.ge [sflag:s12], $0x8000  }
0x74: {  	[sflag:s12] =	ssyncset.done $0x0  }
0x75: {  	[sflag:s12] =	ssyncadd.s32 $0xFFFF8000  }
0x76: {  	_ =	sfence.sel $0x180000  }
0x77: {  	[bflag:$0x0] =	sbarrier.arrive $0xFFFF  }
0x78: {  	p0 =	sne.s32 s1, $0x0;
	_ =	strace $0x90000047  }
0x79: {  	s0 =	sadd.s32 @!p0 $0x100000, s0;
	[bflag:$0x2] =	sbarrier.arrive $0xFFFF  }
0x7a: {  	[sflag:s0] =	ssyncadd.tile.s32 @!p0 $0x1;
	_ =	shalt  }
.Lfunc_end2:
_tile_overlayer_lowered:
.L_overlay_start_2:
0x7b: {  	(tag) =	ssettag $0x2  }
0x7c: {  	s0 =	rddreg [dreg:$0x0];
	s2 =	stileid.u32  }
0x7d: {  	s1 =	rddreg [dreg:$0x1];
	p0 =	sne.s32 s2, $0x0  }
0x7e: {  	s3 =	rddreg [dreg:$0x2];
	[bflag:$0x3] =	sbarrier.arrive $0xFFFF;
	s2 =	simm.s32 @!p0 $0x1C01  }
0x7f: {  	[timem:s3], [sflag:s2] =	dma.local @!p0 [hbm:s0], s1  }
0x80: {  	s0 =	simm.s32 @!p0 $0x1  }
0x81: {  	_ =	swait.ge @!p0 [sflag:s0], s1  }
0x82: {  	s1 =	ssub.s32 @!p0 $0x0, s1;
	[sflag:s0] =	ssyncset.done @!p0 $0x0  }
0x83: {  	[sflag:s0] =	ssyncadd.s32 @!p0 s1  }
0x84: {  	[bflag:$0x3] =	sbarrier.arrive $0xFFFF  }
0x85: {  	_ =	shalt  }

</sc_bundles>
